<compile_context>
chip_gen: v7x
topology: tpu7x:2x2x1
jax: 0.10.2.dev20260603
libtpu: 0.0.44.dev20260713+nightly
codegen_flags: <defaults>
</compile_context>

<pallas_src>
import functools

import jax
import jax.numpy as jnp
from jax import lax
from jax.experimental import pallas as pl
from jax.experimental.pallas import tpu as pltpu
from jax.experimental.pallas import tpu_sc as plsc

N = 10000
NP = 10240
E = 160000
EP = 163840
D = 256
DH = 128
NCLS = 10
NC = 2
NS = 16
K = 128
NB = EP // (NS * K)
RPT = NP // NS
RB = 1024

_mesh = plsc.VectorSubcoreMesh(core_axis_name="c", subcore_axis_name="s")



@functools.partial(
    pl.kernel,
    out_type=jax.ShapeDtypeStruct((NC, NP), jnp.float32),
    mesh=_mesh,
    scratch_types=[
        pltpu.VMEM((NB, K), jnp.int32),
        pltpu.VMEM((K,), jnp.float32),
        pltpu.VMEM_SHARED((NP,), jnp.float32),
    ],
)
def _sc_degrees(edges_hbm, zero1_hbm, deg_out_hbm, idx_v, ones_v, deg_sh):
    c = lax.axis_index("c")
    s = lax.axis_index("s")
    row0 = s * RPT
    pltpu.sync_copy(zero1_hbm.at[pl.ds(row0, RPT)], deg_sh.at[pl.ds(row0, RPT)])
    pltpu.sync_copy(edges_hbm.at[c].at[s], idx_v)
    for i in range(K // 16):
        ones_v[pl.ds(i * 16, 16)] = jnp.ones((16,), jnp.float32)
    plsc.subcore_barrier()

    def body(j, carry):
        pltpu.sync_copy(ones_v, deg_sh.at[idx_v.at[j]], add=True)
        return carry

    lax.fori_loop(0, NB, body, 0)
    plsc.subcore_barrier()
    pltpu.sync_copy(deg_sh.at[pl.ds(row0, RPT)],
                    deg_out_hbm.at[c].at[pl.ds(row0, RPT)])


@functools.partial(
    pl.kernel,
    out_type=jax.ShapeDtypeStruct((NC, NP, DH), jnp.float32),
    mesh=_mesh,
    scratch_types=[
        pltpu.VMEM((NB, K), jnp.int32),
        pltpu.VMEM((NB, K), jnp.int32),
        pltpu.VMEM((K, DH), jnp.float32),
        pltpu.VMEM_SHARED((NP, DH), jnp.float32),
        pltpu.SemaphoreType.DMA,
    ],
)
def _sc_message(y_hbm, src_hbm, dst_hbm, zero2_hbm, agg_out_hbm,
                src_v, dst_v, rows_v, agg_sh, sem):
    c = lax.axis_index("c")
    s = lax.axis_index("s")
    row0 = s * RPT
    pltpu.sync_copy(zero2_hbm.at[pl.ds(row0, RPT)], agg_sh.at[pl.ds(row0, RPT)])
    pltpu.sync_copy(src_hbm.at[s], src_v)
    pltpu.sync_copy(dst_hbm.at[s], dst_v)
    plsc.subcore_barrier()

    def body(j, carry):
        pltpu.async_copy(y_hbm.at[c].at[src_v.at[j]], rows_v, sem).wait()
        pltpu.sync_copy(rows_v, agg_sh.at[dst_v.at[j]], add=True)
        return carry

    lax.fori_loop(0, NB, body, 0)
    plsc.subcore_barrier()
    pltpu.sync_copy(agg_sh.at[pl.ds(row0, RPT)],
                    agg_out_hbm.at[c].at[pl.ds(row0, RPT)])



_DOT = dict(preferred_element_type=jnp.float32,
            precision=jax.lax.Precision.HIGHEST)


def _tc1_body(deg_ref, x_ref, w_ref, y_ref, norm_ref):
    norm = lax.rsqrt(deg_ref[...] + 1.0)
    norm_ref[...] = norm
    xw = jnp.dot(x_ref[...], w_ref[...], **_DOT)
    y_ref[...] = (xw * norm[0][:, None])[None]


def _tc1(deg, x, w1):
    grid = (NP // RB, NC)
    return pl.pallas_call(
        _tc1_body,
        grid=grid,
        in_specs=[
            pl.BlockSpec((NC, RB), lambda i, j: (0, i)),
            pl.BlockSpec((RB, D), lambda i, j: (i, 0)),
            pl.BlockSpec((D, DH), lambda i, j: (0, j)),
        ],
        out_specs=[
            pl.BlockSpec((1, RB, DH), lambda i, j: (j, i, 0)),
            pl.BlockSpec((NC, RB), lambda i, j: (0, i)),
        ],
        out_shape=[
            jax.ShapeDtypeStruct((NC, NP, DH), jnp.float32),
            jax.ShapeDtypeStruct((NC, NP), jnp.float32),
        ],
    )(deg, x, w1)


def _tc2_body(agg_ref, y_ref, norm_ref, b_ref, w_ref, out_ref):
    agg = agg_ref[...]
    y = y_ref[...]
    norm = norm_ref[...]
    h = jnp.concatenate([agg[0] + y[0], agg[1] + y[1]], axis=1)
    h = jnp.maximum(h * norm[1][:, None] + b_ref[...], 0.0)
    hw = jnp.dot(h, w_ref[...], **_DOT)
    out_ref[...] = (hw * norm[0][:, None])[None]


def _tc2(agg, y, norm, b, w2):
    grid = (NP // RB, NC)
    return pl.pallas_call(
        _tc2_body,
        grid=grid,
        in_specs=[
            pl.BlockSpec((NC, RB, DH), lambda i, j: (0, i, 0)),
            pl.BlockSpec((NC, RB, DH), lambda i, j: (0, i, 0)),
            pl.BlockSpec((NC, RB), lambda i, j: (0, i)),
            pl.BlockSpec((1, D), lambda i, j: (0, 0)),
            pl.BlockSpec((D, DH), lambda i, j: (0, j)),
        ],
        out_specs=pl.BlockSpec((1, RB, DH), lambda i, j: (j, i, 0)),
        out_shape=jax.ShapeDtypeStruct((NC, NP, DH), jnp.float32),
    )(agg, y, norm, b, w2)


def _tc3_body(agg_ref, y_ref, norm_ref, b_ref, wfc_ref, bfc_ref, out_ref):
    agg = agg_ref[...]
    y = y_ref[...]
    norm = norm_ref[...]
    h = jnp.concatenate([agg[0] + y[0], agg[1] + y[1]], axis=1)
    h = jnp.maximum(h * norm[1][:, None] + b_ref[...], 0.0)
    out_ref[...] = jnp.dot(h, wfc_ref[...], **_DOT) + bfc_ref[...]


def _tc3(agg, y, norm, b, wfc, bfc):
    grid = (NP // RB,)
    return pl.pallas_call(
        _tc3_body,
        grid=grid,
        in_specs=[
            pl.BlockSpec((NC, RB, DH), lambda i: (0, i, 0)),
            pl.BlockSpec((NC, RB, DH), lambda i: (0, i, 0)),
            pl.BlockSpec((NC, RB), lambda i: (0, i)),
            pl.BlockSpec((1, D), lambda i: (0, 0)),
            pl.BlockSpec((D, NCLS), lambda i: (0, 0)),
            pl.BlockSpec((1, NCLS), lambda i: (0, 0)),
        ],
        out_specs=pl.BlockSpec((RB, NCLS), lambda i: (i, 0)),
        out_shape=jax.ShapeDtypeStruct((NP, NCLS), jnp.float32),
    )(agg, y, norm, b, wfc, bfc)




def kernel(features, edge_index, W1, b1, W2, b2, Wfc, bfc):
    ei = edge_index.astype(jnp.int32)
    pad = jnp.full((EP - E,), N, dtype=jnp.int32)
    src_r = jnp.concatenate([ei[0], pad]).reshape(NS, NB, K)
    dst_r = jnp.concatenate([ei[1], pad]).reshape(NS, NB, K)
    edges2 = jnp.stack([src_r, dst_r])

    xp = jnp.pad(features, ((0, NP - N), (0, 0)))
    z1 = jnp.zeros((NP,), jnp.float32)
    z2 = jnp.zeros((NP, DH), jnp.float32)

    deg = _sc_degrees(edges2, z1)
    y1, norm = _tc1(deg, xp, W1)
    agg1 = _sc_message(y1, src_r, dst_r, z2)
    y2 = _tc2(agg1, y1, norm, b1.reshape(1, D), W2)
    agg2 = _sc_message(y2, src_r, dst_r, z2)
    out = _tc3(agg2, y2, norm, b2.reshape(1, D), Wfc, bfc.reshape(1, NCLS))
    return out[:N]

# --- scband reference (transcript-rebuilt; emitter-appended) ---
"""Pipeline reference for scband-graph-classifier-37735582662792 (READ-ONLY COPY).

The authoritative reference and input builder live on the scoring server;
editing this copy changes nothing except your own understanding.
"""

import jax, jax.numpy as jnp
import numpy as np

N_NODES = 10000
E_EDGES = 160000
D_IN = 256
D_HID = 256
N_CLASSES = 10


def _add_self_loops(edge_index, n_nodes):
    loop = jnp.arange(n_nodes, dtype=edge_index.dtype)
    src = jnp.concatenate([edge_index[0], loop])
    dst = jnp.concatenate([edge_index[1], loop])
    return src, dst


def _graph_conv(x, src, dst, W, b, n_nodes):
    # DGL GraphConv with norm='both': h = D_dst^{-1/2} A D_src^{-1/2} X W + b
    deg_out = jnp.bincount(src, length=n_nodes).astype(x.dtype)
    deg_in = jnp.bincount(dst, length=n_nodes).astype(x.dtype)
    norm_src = jnp.where(deg_out > 0, deg_out ** -0.5, 0.0)
    norm_dst = jnp.where(deg_in > 0, deg_in ** -0.5, 0.0)
    xw = x @ W
    msgs = xw[src] * norm_src[src][:, None]
    agg = jax.ops.segment_sum(msgs, dst, num_segments=n_nodes)
    return agg * norm_dst[:, None] + b


def setup_inputs(seed: int = 0) -> dict:
    key = jax.random.key(seed)
    k1, k2, k3, k4, k5 = jax.random.split(key, 5)
    features = jax.random.normal(k1, (N_NODES, D_IN), dtype=jnp.float32)
    edge_index = jax.random.randint(k2, (2, E_EDGES), 0, N_NODES, dtype=jnp.int64)
    s1 = (1.0 / np.sqrt(D_IN)).astype(np.float32) if isinstance(np.sqrt(D_IN), np.ndarray) else np.float32(1.0 / np.sqrt(D_IN))
    W1 = jax.random.normal(k3, (D_IN, D_HID), dtype=jnp.float32) * s1
    b1 = jnp.zeros((D_HID,), dtype=jnp.float32)
    W2 = jax.random.normal(k4, (D_HID, D_HID), dtype=jnp.float32) * np.float32(1.0 / np.sqrt(D_HID))
    b2 = jnp.zeros((D_HID,), dtype=jnp.float32)
    Wfc = jax.random.normal(k5, (D_HID, N_CLASSES), dtype=jnp.float32) * np.float32(1.0 / np.sqrt(D_HID))
    bfc = jnp.zeros((N_CLASSES,), dtype=jnp.float32)
    return {"features": features, "edge_index": edge_index, "W1": W1, "b1": b1,
            "W2": W2, "b2": b2, "Wfc": Wfc, "bfc": bfc}


def reference(features, edge_index, W1, b1, W2, b2, Wfc, bfc):
    n_nodes = features.shape[0]
    src, dst = _add_self_loops(edge_index, n_nodes)
    x = jax.nn.relu(_graph_conv(features, src, dst, W1, b1, n_nodes))
    x = jax.nn.relu(_graph_conv(x, src, dst, W2, b2, n_nodes))
    x = x @ Wfc + bfc
    return x

if __name__ == "__main__":
    import jax
    _d = setup_inputs()
    print(jax.jit(kernel)(*tuple(_d.values())))

</pallas_src>

<mosaic_0001>
#map = affine_map<(d0, d1) -> (0, 0, 0, 0)>
#map1 = affine_map<(d0, d1) -> (0)>
#map2 = affine_map<(d0, d1) -> (0, 0)>
module attributes {stable_mosaic.version = 14 : i64} {
  func.func @_sc_degrees(%arg0: i32, %arg1: i32, %arg2: memref<2x16x80x128xi32, #tpu.memory_space<hbm>>, %arg3: memref<10240xf32, #tpu.memory_space<hbm>>, %arg4: memref<2x10240xf32, #tpu.memory_space<hbm>>, %arg5: memref<80x128xi32, #tpu.memory_space<vmem>>, %arg6: memref<128xf32, #tpu.memory_space<vmem>>, %arg7: memref<10240xf32, #tpu.memory_space<vmem_shared>>) attributes {dimension_semantics = [#tpu.dimension_semantics<core_parallel>, #tpu.dimension_semantics<subcore_parallel>], iteration_bounds = array<i64: 2, 16>, scalar_prefetch = 0 : i64, scratch_operands = 3 : i64, tpu.core_type = #tpu.core_type<sc_vector_subcore>, window_params = [{transform_indices = #map}, {transform_indices = #map1}, {transform_indices = #map2}]} {
    %mul3A = arith.constant 640 : i32
    %mul3A_0 = arith.muli %arg1, %mul3A : i32
    "tpu.region"() ({
      %run_scoped3A = tpu.sem_alloc : memref<!tpu.dma_semaphore, #tpu.memory_space<semaphore_mem>>
      %dma_start3A = tpu.memref_slice %arg7[%mul3A_0] : memref<10240xf32, #tpu.memory_space<vmem_shared>> -> memref<640xf32, #tpu.memory_space<vmem_shared>>
      %dma_start3A_53 = tpu.memref_slice %arg3[%mul3A_0] : memref<10240xf32, #tpu.memory_space<hbm>> -> memref<640xf32, #tpu.memory_space<hbm>>
      tpu.enqueue_dma source(%dma_start3A_53 : memref<640xf32, #tpu.memory_space<hbm>>) target(%dma_start3A : memref<640xf32, #tpu.memory_space<vmem_shared>>) target_semaphore(%run_scoped3A : memref<!tpu.dma_semaphore, #tpu.memory_space<semaphore_mem>>)
      %dma_wait3A = tpu.memref_slice %arg7[%mul3A_0] : memref<10240xf32, #tpu.memory_space<vmem_shared>> -> memref<640xf32, #tpu.memory_space<vmem_shared>>
      %dma_wait3A_54 = tpu.memref_slice %arg3[%mul3A_0] : memref<10240xf32, #tpu.memory_space<hbm>> -> memref<640xf32, #tpu.memory_space<hbm>>
      tpu.wait_dma2 semaphore(%run_scoped3A : memref<!tpu.dma_semaphore, #tpu.memory_space<semaphore_mem>>) src(%dma_wait3A_54 : memref<640xf32, #tpu.memory_space<hbm>>) dst(%dma_wait3A : memref<640xf32, #tpu.memory_space<vmem_shared>>)
      tpu.yield
    }) : () -> ()
    "tpu.region"() ({
      %run_scoped3A = tpu.sem_alloc : memref<!tpu.dma_semaphore, #tpu.memory_space<semaphore_mem>>
      %dma_start3A = arith.constant 0 : i32
      %dma_start3A_53 = arith.constant 0 : i32
      %dma_start3A_54 = arith.constant 0 : i32
      %dma_start3A_55 = tpu.memref_slice %arg2[%arg0, %dma_start3A, %dma_start3A_53, %dma_start3A_54] : memref<2x16x80x128xi32, #tpu.memory_space<hbm>> -> memref<1x16x80x128xi32, #tpu.memory_space<hbm>>
      %dma_start3A_56 = tpu.memref_squeeze %dma_start3A_55 : memref<1x16x80x128xi32, #tpu.memory_space<hbm>> -> memref<16x80x128xi32, #tpu.memory_space<hbm>>
      %dma_start3A_57 = arith.constant 0 : i32
      %dma_start3A_58 = arith.constant 0 : i32
      %dma_start3A_59 = tpu.memref_slice %dma_start3A_56[%arg1, %dma_start3A_57, %dma_start3A_58] : memref<16x80x128xi32, #tpu.memory_space<hbm>> -> memref<1x80x128xi32, #tpu.memory_space<hbm>>
      %dma_start3A_60 = tpu.memref_squeeze %dma_start3A_59 : memref<1x80x128xi32, #tpu.memory_space<hbm>> -> memref<80x128xi32, #tpu.memory_space<hbm>>
      %dma_start3A_61 = arith.constant 0 : i32
      %dma_start3A_62 = arith.constant 0 : i32
      %dma_start3A_63 = arith.constant 0 : i32
      %dma_start3A_64 = tpu.memref_slice %arg2[%arg0, %dma_start3A_61, %dma_start3A_62, %dma_start3A_63] : memref<2x16x80x128xi32, #tpu.memory_space<hbm>> -> memref<1x16x80x128xi32, #tpu.memory_space<hbm>>
      %dma_start3A_65 = tpu.memref_squeeze %dma_start3A_64 : memref<1x16x80x128xi32, #tpu.memory_space<hbm>> -> memref<16x80x128xi32, #tpu.memory_space<hbm>>
      %dma_start3A_66 = arith.constant 0 : i32
      %dma_start3A_67 = arith.constant 0 : i32
      %dma_start3A_68 = tpu.memref_slice %dma_start3A_65[%arg1, %dma_start3A_66, %dma_start3A_67] : memref<16x80x128xi32, #tpu.memory_space<hbm>> -> memref<1x80x128xi32, #tpu.memory_space<hbm>>
      %dma_start3A_69 = tpu.memref_squeeze %dma_start3A_68 : memref<1x80x128xi32, #tpu.memory_space<hbm>> -> memref<80x128xi32, #tpu.memory_space<hbm>>
      tpu.enqueue_dma source(%dma_start3A_69 : memref<80x128xi32, #tpu.memory_space<hbm>>) target(%arg5 : memref<80x128xi32, #tpu.memory_space<vmem>>) target_semaphore(%run_scoped3A : memref<!tpu.dma_semaphore, #tpu.memory_space<semaphore_mem>>)
      %dma_wait3A = arith.constant 0 : i32
      %dma_wait3A_70 = arith.constant 0 : i32
      %dma_wait3A_71 = arith.constant 0 : i32
      %dma_wait3A_72 = tpu.memref_slice %arg2[%arg0, %dma_wait3A, %dma_wait3A_70, %dma_wait3A_71] : memref<2x16x80x128xi32, #tpu.memory_space<hbm>> -> memref<1x16x80x128xi32, #tpu.memory_space<hbm>>
      %dma_wait3A_73 = tpu.memref_squeeze %dma_wait3A_72 : memref<1x16x80x128xi32, #tpu.memory_space<hbm>> -> memref<16x80x128xi32, #tpu.memory_space<hbm>>
      %dma_wait3A_74 = arith.constant 0 : i32
      %dma_wait3A_75 = arith.constant 0 : i32
      %dma_wait3A_76 = tpu.memref_slice %dma_wait3A_73[%arg1, %dma_wait3A_74, %dma_wait3A_75] : memref<16x80x128xi32, #tpu.memory_space<hbm>> -> memref<1x80x128xi32, #tpu.memory_space<hbm>>
      %dma_wait3A_77 = tpu.memref_squeeze %dma_wait3A_76 : memref<1x80x128xi32, #tpu.memory_space<hbm>> -> memref<80x128xi32, #tpu.memory_space<hbm>>
      %dma_wait3A_78 = arith.constant 0 : i32
      %dma_wait3A_79 = arith.constant 0 : i32
      %dma_wait3A_80 = arith.constant 0 : i32
      %dma_wait3A_81 = tpu.memref_slice %arg2[%arg0, %dma_wait3A_78, %dma_wait3A_79, %dma_wait3A_80] : memref<2x16x80x128xi32, #tpu.memory_space<hbm>> -> memref<1x16x80x128xi32, #tpu.memory_space<hbm>>
      %dma_wait3A_82 = tpu.memref_squeeze %dma_wait3A_81 : memref<1x16x80x128xi32, #tpu.memory_space<hbm>> -> memref<16x80x128xi32, #tpu.memory_space<hbm>>
      %dma_wait3A_83 = arith.constant 0 : i32
      %dma_wait3A_84 = arith.constant 0 : i32
      %dma_wait3A_85 = tpu.memref_slice %dma_wait3A_82[%arg1, %dma_wait3A_83, %dma_wait3A_84] : memref<16x80x128xi32, #tpu.memory_space<hbm>> -> memref<1x80x128xi32, #tpu.memory_space<hbm>>
      %dma_wait3A_86 = tpu.memref_squeeze %dma_wait3A_85 : memref<1x80x128xi32, #tpu.memory_space<hbm>> -> memref<80x128xi32, #tpu.memory_space<hbm>>
      tpu.wait_dma2 semaphore(%run_scoped3A : memref<!tpu.dma_semaphore, #tpu.memory_space<semaphore_mem>>) src(%dma_wait3A_86 : memref<80x128xi32, #tpu.memory_space<hbm>>) dst(%arg5 : memref<80x128xi32, #tpu.memory_space<vmem>>)
      tpu.yield
    }) : () -> ()
    %broadcast_in_dim3A = arith.constant 1.000000e+00 : f32
    %broadcast_in_dim3A_1 = vector.broadcast %broadcast_in_dim3A : f32 to vector<16xf32>
    %swap3A = arith.constant 0 : index
    %swap3A_2 = tpu.vector_load %arg6[%swap3A] {strides = array<i32>} : memref<128xf32, #tpu.memory_space<vmem>>, vector<16xf32>,
    %swap3A_3 = vector.shape_cast %swap3A_2 : vector<16xf32> to vector<16xf32>
    %swap3A_4 = vector.shape_cast %broadcast_in_dim3A_1 : vector<16xf32> to vector<16xf32>
    tpu.vector_store %arg6[%swap3A], %swap3A_4 {strides = array<i32>} : memref<128xf32, #tpu.memory_space<vmem>>, vector<16xf32>,
    %broadcast_in_dim3A_5 = arith.constant 1.000000e+00 : f32
    %broadcast_in_dim3A_6 = vector.broadcast %broadcast_in_dim3A_5 : f32 to vector<16xf32>
    %swap3A_7 = arith.constant 16 : index
    %swap3A_8 = tpu.vector_load %arg6[%swap3A_7] {strides = array<i32>} : memref<128xf32, #tpu.memory_space<vmem>>, vector<16xf32>,
    %swap3A_9 = vector.shape_cast %swap3A_8 : vector<16xf32> to vector<16xf32>
    %swap3A_10 = vector.shape_cast %broadcast_in_dim3A_6 : vector<16xf32> to vector<16xf32>
    tpu.vector_store %arg6[%swap3A_7], %swap3A_10 {strides = array<i32>} : memref<128xf32, #tpu.memory_space<vmem>>, vector<16xf32>,
    %broadcast_in_dim3A_11 = arith.constant 1.000000e+00 : f32
    %broadcast_in_dim3A_12 = vector.broadcast %broadcast_in_dim3A_11 : f32 to vector<16xf32>
    %swap3A_13 = arith.constant 32 : index
    %swap3A_14 = tpu.vector_load %arg6[%swap3A_13] {strides = array<i32>} : memref<128xf32, #tpu.memory_space<vmem>>, vector<16xf32>,
    %swap3A_15 = vector.shape_cast %swap3A_14 : vector<16xf32> to vector<16xf32>
    %swap3A_16 = vector.shape_cast %broadcast_in_dim3A_12 : vector<16xf32> to vector<16xf32>
    tpu.vector_store %arg6[%swap3A_13], %swap3A_16 {strides = array<i32>} : memref<128xf32, #tpu.memory_space<vmem>>, vector<16xf32>,
    %broadcast_in_dim3A_17 = arith.constant 1.000000e+00 : f32
    %broadcast_in_dim3A_18 = vector.broadcast %broadcast_in_dim3A_17 : f32 to vector<16xf32>
    %swap3A_19 = arith.constant 48 : index
    %swap3A_20 = tpu.vector_load %arg6[%swap3A_19] {strides = array<i32>} : memref<128xf32, #tpu.memory_space<vmem>>, vector<16xf32>,
    %swap3A_21 = vector.shape_cast %swap3A_20 : vector<16xf32> to vector<16xf32>
    %swap3A_22 = vector.shape_cast %broadcast_in_dim3A_18 : vector<16xf32> to vector<16xf32>
    tpu.vector_store %arg6[%swap3A_19], %swap3A_22 {strides = array<i32>} : memref<128xf32, #tpu.memory_space<vmem>>, vector<16xf32>,
    %broadcast_in_dim3A_23 = arith.constant 1.000000e+00 : f32
    %broadcast_in_dim3A_24 = vector.broadcast %broadcast_in_dim3A_23 : f32 to vector<16xf32>
    %swap3A_25 = arith.constant 64 : index
    %swap3A_26 = tpu.vector_load %arg6[%swap3A_25] {strides = array<i32>} : memref<128xf32, #tpu.memory_space<vmem>>, vector<16xf32>,
    %swap3A_27 = vector.shape_cast %swap3A_26 : vector<16xf32> to vector<16xf32>
    %swap3A_28 = vector.shape_cast %broadcast_in_dim3A_24 : vector<16xf32> to vector<16xf32>
    tpu.vector_store %arg6[%swap3A_25], %swap3A_28 {strides = array<i32>} : memref<128xf32, #tpu.memory_space<vmem>>, vector<16xf32>,
    %broadcast_in_dim3A_29 = arith.constant 1.000000e+00 : f32
    %broadcast_in_dim3A_30 = vector.broadcast %broadcast_in_dim3A_29 : f32 to vector<16xf32>
    %swap3A_31 = arith.constant 80 : index
    %swap3A_32 = tpu.vector_load %arg6[%swap3A_31] {strides = array<i32>} : memref<128xf32, #tpu.memory_space<vmem>>, vector<16xf32>,
    %swap3A_33 = vector.shape_cast %swap3A_32 : vector<16xf32> to vector<16xf32>
    %swap3A_34 = vector.shape_cast %broadcast_in_dim3A_30 : vector<16xf32> to vector<16xf32>
    tpu.vector_store %arg6[%swap3A_31], %swap3A_34 {strides = array<i32>} : memref<128xf32, #tpu.memory_space<vmem>>, vector<16xf32>,
    %broadcast_in_dim3A_35 = arith.constant 1.000000e+00 : f32
    %broadcast_in_dim3A_36 = vector.broadcast %broadcast_in_dim3A_35 : f32 to vector<16xf32>
    %swap3A_37 = arith.constant 96 : index
    %swap3A_38 = tpu.vector_load %arg6[%swap3A_37] {strides = array<i32>} : memref<128xf32, #tpu.memory_space<vmem>>, vector<16xf32>,
    %swap3A_39 = vector.shape_cast %swap3A_38 : vector<16xf32> to vector<16xf32>
    %swap3A_40 = vector.shape_cast %broadcast_in_dim3A_36 : vector<16xf32> to vector<16xf32>
    tpu.vector_store %arg6[%swap3A_37], %swap3A_40 {strides = array<i32>} : memref<128xf32, #tpu.memory_space<vmem>>, vector<16xf32>,
    %broadcast_in_dim3A_41 = arith.constant 1.000000e+00 : f32
    %broadcast_in_dim3A_42 = vector.broadcast %broadcast_in_dim3A_41 : f32 to vector<16xf32>
    %swap3A_43 = arith.constant 112 : index
    %swap3A_44 = tpu.vector_load %arg6[%swap3A_43] {strides = array<i32>} : memref<128xf32, #tpu.memory_space<vmem>>, vector<16xf32>,
    %swap3A_45 = vector.shape_cast %swap3A_44 : vector<16xf32> to vector<16xf32>
    %swap3A_46 = vector.shape_cast %broadcast_in_dim3A_42 : vector<16xf32> to vector<16xf32>
    tpu.vector_store %arg6[%swap3A_43], %swap3A_46 {strides = array<i32>} : memref<128xf32, #tpu.memory_space<vmem>>, vector<16xf32>,
    %barrier3A = arith.constant 0 : index
    tpu.barrier barrier_id(%barrier3A)
    %scan3A = arith.constant 0 : i32
    %scan3A_47 = arith.constant 0 : i32
    %scan3A_48 = arith.constant 80 : i32
    %scan3A_49 = arith.addi %scan3A_47, %scan3A_48 : i32
    %scan3A_50 = arith.constant 1 : i32
    scf.for %scan3A_53 = %scan3A_47 to %scan3A_49 step %scan3A_50  : i32 {
      "tpu.region"() ({
        %run_scoped3A = tpu.sem_alloc : memref<!tpu.dma_semaphore, #tpu.memory_space<semaphore_mem>>
        %dma_start3A = arith.constant 0 : i32
        %dma_start3A_54 = tpu.memref_slice %arg5[%scan3A_53, %dma_start3A] : memref<80x128xi32, #tpu.memory_space<vmem>> -> memref<1x128xi32, #tpu.memory_space<vmem>>
        %dma_start3A_55 = tpu.memref_squeeze %dma_start3A_54 : memref<1x128xi32, #tpu.memory_space<vmem>> -> memref<128xi32, #tpu.memory_space<vmem>>
        %dma_start3A_56 = arith.constant 0 : i32
        %dma_start3A_57 = tpu.memref_slice %arg7[%dma_start3A_56] : memref<10240xf32, #tpu.memory_space<vmem_shared>> -> memref<10240xf32, #tpu.memory_space<vmem_shared>>
        tpu.enqueue_indirect_dma source(%arg6 : memref<128xf32, #tpu.memory_space<vmem>>) target(%dma_start3A_57 : memref<10240xf32, #tpu.memory_space<vmem_shared>>) offsets(%dma_start3A_55 : memref<128xi32, #tpu.memory_space<vmem>>) semaphore(%run_scoped3A : memref<!tpu.dma_semaphore, #tpu.memory_space<semaphore_mem>>) {add = true}
        %dma_wait3A = arith.constant 0 : i32
        %dma_wait3A_58 = tpu.memref_slice %arg5[%scan3A_53, %dma_wait3A] : memref<80x128xi32, #tpu.memory_space<vmem>> -> memref<1x128xi32, #tpu.memory_space<vmem>>
        %dma_wait3A_59 = tpu.memref_squeeze %dma_wait3A_58 : memref<1x128xi32, #tpu.memory_space<vmem>> -> memref<128xi32, #tpu.memory_space<vmem>>
        %dma_wait3A_60 = arith.constant 0 : i32
        %dma_wait3A_61 = tpu.memref_slice %arg7[%dma_wait3A_60] : memref<10240xf32, #tpu.memory_space<vmem_shared>> -> memref<10240xf32, #tpu.memory_space<vmem_shared>>
        tpu.wait_indirect_dma semaphore(%run_scoped3A : memref<!tpu.dma_semaphore, #tpu.memory_space<semaphore_mem>>) src(%arg6 : memref<128xf32, #tpu.memory_space<vmem>>) dst(%dma_wait3A_61 : memref<10240xf32, #tpu.memory_space<vmem_shared>>)
        tpu.yield
      }) : () -> ()
    }
    %scan3A_51 = arith.constant 80 : i32
    %barrier3A_52 = arith.constant 0 : index
    tpu.barrier barrier_id(%barrier3A_52)
    "tpu.region"() ({
      %run_scoped3A = tpu.sem_alloc : memref<!tpu.dma_semaphore, #tpu.memory_space<semaphore_mem>>
      %dma_start3A = arith.constant 0 : i32
      %dma_start3A_53 = tpu.memref_slice %arg4[%arg0, %dma_start3A] : memref<2x10240xf32, #tpu.memory_space<hbm>> -> memref<1x10240xf32, #tpu.memory_space<hbm>>
      %dma_start3A_54 = tpu.memref_squeeze %dma_start3A_53 : memref<1x10240xf32, #tpu.memory_space<hbm>> -> memref<10240xf32, #tpu.memory_space<hbm>>
      %dma_start3A_55 = tpu.memref_slice %dma_start3A_54[%mul3A_0] : memref<10240xf32, #tpu.memory_space<hbm>> -> memref<640xf32, #tpu.memory_space<hbm>>
      %dma_start3A_56 = tpu.memref_slice %arg7[%mul3A_0] : memref<10240xf32, #tpu.memory_space<vmem_shared>> -> memref<640xf32, #tpu.memory_space<vmem_shared>>
      tpu.enqueue_dma source(%dma_start3A_56 : memref<640xf32, #tpu.memory_space<vmem_shared>>) target(%dma_start3A_55 : memref<640xf32, #tpu.memory_space<hbm>>) target_semaphore(%run_scoped3A : memref<!tpu.dma_semaphore, #tpu.memory_space<semaphore_mem>>)
      %dma_wait3A = arith.constant 0 : i32
      %dma_wait3A_57 = tpu.memref_slice %arg4[%arg0, %dma_wait3A] : memref<2x10240xf32, #tpu.memory_space<hbm>> -> memref<1x10240xf32, #tpu.memory_space<hbm>>
      %dma_wait3A_58 = tpu.memref_squeeze %dma_wait3A_57 : memref<1x10240xf32, #tpu.memory_space<hbm>> -> memref<10240xf32, #tpu.memory_space<hbm>>
      %dma_wait3A_59 = tpu.memref_slice %dma_wait3A_58[%mul3A_0] : memref<10240xf32, #tpu.memory_space<hbm>> -> memref<640xf32, #tpu.memory_space<hbm>>
      %dma_wait3A_60 = tpu.memref_slice %arg7[%mul3A_0] : memref<10240xf32, #tpu.memory_space<vmem_shared>> -> memref<640xf32, #tpu.memory_space<vmem_shared>>
      tpu.wait_dma2 semaphore(%run_scoped3A : memref<!tpu.dma_semaphore, #tpu.memory_space<semaphore_mem>>) src(%dma_wait3A_60 : memref<640xf32, #tpu.memory_space<vmem_shared>>) dst(%dma_wait3A_59 : memref<640xf32, #tpu.memory_space<hbm>>)
      tpu.yield
    }) : () -> ()
    return
  }
}

#map = affine_map<(d0, d1) -> (0, 0, 0)>
#map1 = affine_map<(d0, d1) -> (0, 0)>
module attributes {stable_mosaic.version = 14 : i64} {
  func.func @_sc_message(%arg0: i32, %arg1: i32, %arg2: memref<2x10240x128xf32, #tpu.memory_space<hbm>>, %arg3: memref<16x80x128xi32, #tpu.memory_space<hbm>>, %arg4: memref<16x80x128xi32, #tpu.memory_space<hbm>>, %arg5: memref<10240x128xf32, #tpu.memory_space<hbm>>, %arg6: memref<2x10240x128xf32, #tpu.memory_space<hbm>>, %arg7: memref<80x128xi32, #tpu.memory_space<vmem>>, %arg8: memref<80x128xi32, #tpu.memory_space<vmem>>, %arg9: memref<128x128xf32, #tpu.memory_space<vmem>>, %arg10: memref<10240x128xf32, #tpu.memory_space<vmem_shared>>, %arg11: memref<!tpu.dma_semaphore, #tpu.memory_space<semaphore_mem>>) attributes {dimension_semantics = [#tpu.dimension_semantics<core_parallel>, #tpu.dimension_semantics<subcore_parallel>], iteration_bounds = array<i64: 2, 16>, scalar_prefetch = 0 : i64, scratch_operands = 5 : i64, tpu.core_type = #tpu.core_type<sc_vector_subcore>, window_params = [{transform_indices = #map}, {transform_indices = #map}, {transform_indices = #map}, {transform_indices = #map1}, {transform_indices = #map}]} {
    %mul3A = arith.constant 640 : i32
    %mul3A_0 = arith.muli %arg1, %mul3A : i32
    "tpu.region"() ({
      %run_scoped3A = tpu.sem_alloc : memref<!tpu.dma_semaphore, #tpu.memory_space<semaphore_mem>>
      %dma_start3A = arith.constant 0 : i32
      %dma_start3A_7 = tpu.memref_slice %arg10[%mul3A_0, %dma_start3A] : memref<10240x128xf32, #tpu.memory_space<vmem_shared>> -> memref<640x128xf32, #tpu.memory_space<vmem_shared>>
      %dma_start3A_8 = arith.constant 0 : i32
      %dma_start3A_9 = tpu.memref_slice %arg5[%mul3A_0, %dma_start3A_8] : memref<10240x128xf32, #tpu.memory_space<hbm>> -> memref<640x128xf32, #tpu.memory_space<hbm>>
      tpu.enqueue_dma source(%dma_start3A_9 : memref<640x128xf32, #tpu.memory_space<hbm>>) target(%dma_start3A_7 : memref<640x128xf32, #tpu.memory_space<vmem_shared>>) target_semaphore(%run_scoped3A : memref<!tpu.dma_semaphore, #tpu.memory_space<semaphore_mem>>)
      %dma_wait3A = arith.constant 0 : i32
      %dma_wait3A_10 = tpu.memref_slice %arg10[%mul3A_0, %dma_wait3A] : memref<10240x128xf32, #tpu.memory_space<vmem_shared>> -> memref<640x128xf32, #tpu.memory_space<vmem_shared>>
      %dma_wait3A_11 = arith.constant 0 : i32
      %dma_wait3A_12 = tpu.memref_slice %arg5[%mul3A_0, %dma_wait3A_11] : memref<10240x128xf32, #tpu.memory_space<hbm>> -> memref<640x128xf32, #tpu.memory_space<hbm>>
      tpu.wait_dma2 semaphore(%run_scoped3A : memref<!tpu.dma_semaphore, #tpu.memory_space<semaphore_mem>>) src(%dma_wait3A_12 : memref<640x128xf32, #tpu.memory_space<hbm>>) dst(%dma_wait3A_10 : memref<640x128xf32, #tpu.memory_space<vmem_shared>>)
      tpu.yield
    }) : () -> ()
    "tpu.region"() ({
      %run_scoped3A = tpu.sem_alloc : memref<!tpu.dma_semaphore, #tpu.memory_space<semaphore_mem>>
      %dma_start3A = arith.constant 0 : i32
      %dma_start3A_7 = arith.constant 0 : i32
      %dma_start3A_8 = tpu.memref_slice %arg3[%arg1, %dma_start3A, %dma_start3A_7] : memref<16x80x128xi32, #tpu.memory_space<hbm>> -> memref<1x80x128xi32, #tpu.memory_space<hbm>>
      %dma_start3A_9 = tpu.memref_squeeze %dma_start3A_8 : memref<1x80x128xi32, #tpu.memory_space<hbm>> -> memref<80x128xi32, #tpu.memory_space<hbm>>
      %dma_start3A_10 = arith.constant 0 : i32
      %dma_start3A_11 = arith.constant 0 : i32
      %dma_start3A_12 = tpu.memref_slice %arg3[%arg1, %dma_start3A_10, %dma_start3A_11] : memref<16x80x128xi32, #tpu.memory_space<hbm>> -> memref<1x80x128xi32, #tpu.memory_space<hbm>>
      %dma_start3A_13 = tpu.memref_squeeze %dma_start3A_12 : memref<1x80x128xi32, #tpu.memory_space<hbm>> -> memref<80x128xi32, #tpu.memory_space<hbm>>
      tpu.enqueue_dma source(%dma_start3A_13 : memref<80x128xi32, #tpu.memory_space<hbm>>) target(%arg7 : memref<80x128xi32, #tpu.memory_space<vmem>>) target_semaphore(%run_scoped3A : memref<!tpu.dma_semaphore, #tpu.memory_space<semaphore_mem>>)
      %dma_wait3A = arith.constant 0 : i32
      %dma_wait3A_14 = arith.constant 0 : i32
      %dma_wait3A_15 = tpu.memref_slice %arg3[%arg1, %dma_wait3A, %dma_wait3A_14] : memref<16x80x128xi32, #tpu.memory_space<hbm>> -> memref<1x80x128xi32, #tpu.memory_space<hbm>>
      %dma_wait3A_16 = tpu.memref_squeeze %dma_wait3A_15 : memref<1x80x128xi32, #tpu.memory_space<hbm>> -> memref<80x128xi32, #tpu.memory_space<hbm>>
      %dma_wait3A_17 = arith.constant 0 : i32
      %dma_wait3A_18 = arith.constant 0 : i32
      %dma_wait3A_19 = tpu.memref_slice %arg3[%arg1, %dma_wait3A_17, %dma_wait3A_18] : memref<16x80x128xi32, #tpu.memory_space<hbm>> -> memref<1x80x128xi32, #tpu.memory_space<hbm>>
      %dma_wait3A_20 = tpu.memref_squeeze %dma_wait3A_19 : memref<1x80x128xi32, #tpu.memory_space<hbm>> -> memref<80x128xi32, #tpu.memory_space<hbm>>
      tpu.wait_dma2 semaphore(%run_scoped3A : memref<!tpu.dma_semaphore, #tpu.memory_space<semaphore_mem>>) src(%dma_wait3A_20 : memref<80x128xi32, #tpu.memory_space<hbm>>) dst(%arg7 : memref<80x128xi32, #tpu.memory_space<vmem>>)
      tpu.yield
    }) : () -> ()
    "tpu.region"() ({
      %run_scoped3A = tpu.sem_alloc : memref<!tpu.dma_semaphore, #tpu.memory_space<semaphore_mem>>
      %dma_start3A = arith.constant 0 : i32
      %dma_start3A_7 = arith.constant 0 : i32
      %dma_start3A_8 = tpu.memref_slice %arg4[%arg1, %dma_start3A, %dma_start3A_7] : memref<16x80x128xi32, #tpu.memory_space<hbm>> -> memref<1x80x128xi32, #tpu.memory_space<hbm>>
      %dma_start3A_9 = tpu.memref_squeeze %dma_start3A_8 : memref<1x80x128xi32, #tpu.memory_space<hbm>> -> memref<80x128xi32, #tpu.memory_space<hbm>>
      %dma_start3A_10 = arith.constant 0 : i32
      %dma_start3A_11 = arith.constant 0 : i32
      %dma_start3A_12 = tpu.memref_slice %arg4[%arg1, %dma_start3A_10, %dma_start3A_11] : memref<16x80x128xi32, #tpu.memory_space<hbm>> -> memref<1x80x128xi32, #tpu.memory_space<hbm>>
      %dma_start3A_13 = tpu.memref_squeeze %dma_start3A_12 : memref<1x80x128xi32, #tpu.memory_space<hbm>> -> memref<80x128xi32, #tpu.memory_space<hbm>>
      tpu.enqueue_dma source(%dma_start3A_13 : memref<80x128xi32, #tpu.memory_space<hbm>>) target(%arg8 : memref<80x128xi32, #tpu.memory_space<vmem>>) target_semaphore(%run_scoped3A : memref<!tpu.dma_semaphore, #tpu.memory_space<semaphore_mem>>)
      %dma_wait3A = arith.constant 0 : i32
      %dma_wait3A_14 = arith.constant 0 : i32
      %dma_wait3A_15 = tpu.memref_slice %arg4[%arg1, %dma_wait3A, %dma_wait3A_14] : memref<16x80x128xi32, #tpu.memory_space<hbm>> -> memref<1x80x128xi32, #tpu.memory_space<hbm>>
      %dma_wait3A_16 = tpu.memref_squeeze %dma_wait3A_15 : memref<1x80x128xi32, #tpu.memory_space<hbm>> -> memref<80x128xi32, #tpu.memory_space<hbm>>
      %dma_wait3A_17 = arith.constant 0 : i32
      %dma_wait3A_18 = arith.constant 0 : i32
      %dma_wait3A_19 = tpu.memref_slice %arg4[%arg1, %dma_wait3A_17, %dma_wait3A_18] : memref<16x80x128xi32, #tpu.memory_space<hbm>> -> memref<1x80x128xi32, #tpu.memory_space<hbm>>
      %dma_wait3A_20 = tpu.memref_squeeze %dma_wait3A_19 : memref<1x80x128xi32, #tpu.memory_space<hbm>> -> memref<80x128xi32, #tpu.memory_space<hbm>>
      tpu.wait_dma2 semaphore(%run_scoped3A : memref<!tpu.dma_semaphore, #tpu.memory_space<semaphore_mem>>) src(%dma_wait3A_20 : memref<80x128xi32, #tpu.memory_space<hbm>>) dst(%arg8 : memref<80x128xi32, #tpu.memory_space<vmem>>)
      tpu.yield
    }) : () -> ()
    %barrier3A = arith.constant 0 : index
    tpu.barrier barrier_id(%barrier3A)
    %scan3A = arith.constant 0 : i32
    %scan3A_1 = arith.constant 0 : i32
    %scan3A_2 = arith.constant 80 : i32
    %scan3A_3 = arith.addi %scan3A_1, %scan3A_2 : i32
    %scan3A_4 = arith.constant 1 : i32
    scf.for %scan3A_7 = %scan3A_1 to %scan3A_3 step %scan3A_4  : i32 {
      %dma_start3A = arith.constant 0 : i32
      %dma_start3A_8 = tpu.memref_slice %arg7[%scan3A_7, %dma_start3A] : memref<80x128xi32, #tpu.memory_space<vmem>> -> memref<1x128xi32, #tpu.memory_space<vmem>>
      %dma_start3A_9 = tpu.memref_squeeze %dma_start3A_8 : memref<1x128xi32, #tpu.memory_space<vmem>> -> memref<128xi32, #tpu.memory_space<vmem>>
      %dma_start3A_10 = arith.constant 0 : i32
      %dma_start3A_11 = arith.constant 0 : i32
      %dma_start3A_12 = tpu.memref_slice %arg2[%arg0, %dma_start3A_10, %dma_start3A_11] : memref<2x10240x128xf32, #tpu.memory_space<hbm>> -> memref<1x10240x128xf32, #tpu.memory_space<hbm>>
      %dma_start3A_13 = tpu.memref_squeeze %dma_start3A_12 : memref<1x10240x128xf32, #tpu.memory_space<hbm>> -> memref<10240x128xf32, #tpu.memory_space<hbm>>
      %dma_start3A_14 = arith.constant 0 : i32
      %dma_start3A_15 = arith.constant 0 : i32
      %dma_start3A_16 = tpu.memref_slice %dma_start3A_13[%dma_start3A_14, %dma_start3A_15] : memref<10240x128xf32, #tpu.memory_space<hbm>> -> memref<10240x128xf32, #tpu.memory_space<hbm>>
      tpu.enqueue_indirect_dma source(%dma_start3A_16 : memref<10240x128xf32, #tpu.memory_space<hbm>>) target(%arg9 : memref<128x128xf32, #tpu.memory_space<vmem>>) offsets(%dma_start3A_9 : memref<128xi32, #tpu.memory_space<vmem>>) semaphore(%arg11 : memref<!tpu.dma_semaphore, #tpu.memory_space<semaphore_mem>>)
      %dma_wait3A = arith.constant 0 : i32
      %dma_wait3A_17 = tpu.memref_slice %arg7[%scan3A_7, %dma_wait3A] : memref<80x128xi32, #tpu.memory_space<vmem>> -> memref<1x128xi32, #tpu.memory_space<vmem>>
      %dma_wait3A_18 = tpu.memref_squeeze %dma_wait3A_17 : memref<1x128xi32, #tpu.memory_space<vmem>> -> memref<128xi32, #tpu.memory_space<vmem>>
      %dma_wait3A_19 = arith.constant 0 : i32
      %dma_wait3A_20 = arith.constant 0 : i32
      %dma_wait3A_21 = tpu.memref_slice %arg2[%arg0, %dma_wait3A_19, %dma_wait3A_20] : memref<2x10240x128xf32, #tpu.memory_space<hbm>> -> memref<1x10240x128xf32, #tpu.memory_space<hbm>>
      %dma_wait3A_22 = tpu.memref_squeeze %dma_wait3A_21 : memref<1x10240x128xf32, #tpu.memory_space<hbm>> -> memref<10240x128xf32, #tpu.memory_space<hbm>>
      %dma_wait3A_23 = arith.constant 0 : i32
      %dma_wait3A_24 = arith.constant 0 : i32
      %dma_wait3A_25 = tpu.memref_slice %dma_wait3A_22[%dma_wait3A_23, %dma_wait3A_24] : memref<10240x128xf32, #tpu.memory_space<hbm>> -> memref<10240x128xf32, #tpu.memory_space<hbm>>
      tpu.wait_indirect_dma semaphore(%arg11 : memref<!tpu.dma_semaphore, #tpu.memory_space<semaphore_mem>>) src(%dma_wait3A_25 : memref<10240x128xf32, #tpu.memory_space<hbm>>) dst(%arg9 : memref<128x128xf32, #tpu.memory_space<vmem>>)
      "tpu.region"() ({
        %run_scoped3A = tpu.sem_alloc : memref<!tpu.dma_semaphore, #tpu.memory_space<semaphore_mem>>
        %dma_start3A_26 = arith.constant 0 : i32
        %dma_start3A_27 = tpu.memref_slice %arg8[%scan3A_7, %dma_start3A_26] : memref<80x128xi32, #tpu.memory_space<vmem>> -> memref<1x128xi32, #tpu.memory_space<vmem>>
        %dma_start3A_28 = tpu.memref_squeeze %dma_start3A_27 : memref<1x128xi32, #tpu.memory_space<vmem>> -> memref<128xi32, #tpu.memory_space<vmem>>
        %dma_start3A_29 = arith.constant 0 : i32
        %dma_start3A_30 = arith.constant 0 : i32
        %dma_start3A_31 = tpu.memref_slice %arg10[%dma_start3A_29, %dma_start3A_30] : memref<10240x128xf32, #tpu.memory_space<vmem_shared>> -> memref<10240x128xf32, #tpu.memory_space<vmem_shared>>
        tpu.enqueue_indirect_dma source(%arg9 : memref<128x128xf32, #tpu.memory_space<vmem>>) target(%dma_start3A_31 : memref<10240x128xf32, #tpu.memory_space<vmem_shared>>) offsets(%dma_start3A_28 : memref<128xi32, #tpu.memory_space<vmem>>) semaphore(%run_scoped3A : memref<!tpu.dma_semaphore, #tpu.memory_space<semaphore_mem>>) {add = true}
        %dma_wait3A_32 = arith.constant 0 : i32
        %dma_wait3A_33 = tpu.memref_slice %arg8[%scan3A_7, %dma_wait3A_32] : memref<80x128xi32, #tpu.memory_space<vmem>> -> memref<1x128xi32, #tpu.memory_space<vmem>>
        %dma_wait3A_34 = tpu.memref_squeeze %dma_wait3A_33 : memref<1x128xi32, #tpu.memory_space<vmem>> -> memref<128xi32, #tpu.memory_space<vmem>>
        %dma_wait3A_35 = arith.constant 0 : i32
        %dma_wait3A_36 = arith.constant 0 : i32
        %dma_wait3A_37 = tpu.memref_slice %arg10[%dma_wait3A_35, %dma_wait3A_36] : memref<10240x128xf32, #tpu.memory_space<vmem_shared>> -> memref<10240x128xf32, #tpu.memory_space<vmem_shared>>
        tpu.wait_indirect_dma semaphore(%run_scoped3A : memref<!tpu.dma_semaphore, #tpu.memory_space<semaphore_mem>>) src(%arg9 : memref<128x128xf32, #tpu.memory_space<vmem>>) dst(%dma_wait3A_37 : memref<10240x128xf32, #tpu.memory_space<vmem_shared>>)
        tpu.yield
      }) : () -> ()
    }
    %scan3A_5 = arith.constant 80 : i32
    %barrier3A_6 = arith.constant 0 : index
    tpu.barrier barrier_id(%barrier3A_6)
    "tpu.region"() ({
      %run_scoped3A = tpu.sem_alloc : memref<!tpu.dma_semaphore, #tpu.memory_space<semaphore_mem>>
      %dma_start3A = arith.constant 0 : i32
      %dma_start3A_7 = arith.constant 0 : i32
      %dma_start3A_8 = tpu.memref_slice %arg6[%arg0, %dma_start3A, %dma_start3A_7] : memref<2x10240x128xf32, #tpu.memory_space<hbm>> -> memref<1x10240x128xf32, #tpu.memory_space<hbm>>
      %dma_start3A_9 = tpu.memref_squeeze %dma_start3A_8 : memref<1x10240x128xf32, #tpu.memory_space<hbm>> -> memref<10240x128xf32, #tpu.memory_space<hbm>>
      %dma_start3A_10 = arith.constant 0 : i32
      %dma_start3A_11 = tpu.memref_slice %dma_start3A_9[%mul3A_0, %dma_start3A_10] : memref<10240x128xf32, #tpu.memory_space<hbm>> -> memref<640x128xf32, #tpu.memory_space<hbm>>
      %dma_start3A_12 = arith.constant 0 : i32
      %dma_start3A_13 = tpu.memref_slice %arg10[%mul3A_0, %dma_start3A_12] : memref<10240x128xf32, #tpu.memory_space<vmem_shared>> -> memref<640x128xf32, #tpu.memory_space<vmem_shared>>
      tpu.enqueue_dma source(%dma_start3A_13 : memref<640x128xf32, #tpu.memory_space<vmem_shared>>) target(%dma_start3A_11 : memref<640x128xf32, #tpu.memory_space<hbm>>) target_semaphore(%run_scoped3A : memref<!tpu.dma_semaphore, #tpu.memory_space<semaphore_mem>>)
      %dma_wait3A = arith.constant 0 : i32
      %dma_wait3A_14 = arith.constant 0 : i32
      %dma_wait3A_15 = tpu.memref_slice %arg6[%arg0, %dma_wait3A, %dma_wait3A_14] : memref<2x10240x128xf32, #tpu.memory_space<hbm>> -> memref<1x10240x128xf32, #tpu.memory_space<hbm>>
      %dma_wait3A_16 = tpu.memref_squeeze %dma_wait3A_15 : memref<1x10240x128xf32, #tpu.memory_space<hbm>> -> memref<10240x128xf32, #tpu.memory_space<hbm>>
      %dma_wait3A_17 = arith.constant 0 : i32
      %dma_wait3A_18 = tpu.memref_slice %dma_wait3A_16[%mul3A_0, %dma_wait3A_17] : memref<10240x128xf32, #tpu.memory_space<hbm>> -> memref<640x128xf32, #tpu.memory_space<hbm>>
      %dma_wait3A_19 = arith.constant 0 : i32
      %dma_wait3A_20 = tpu.memref_slice %arg10[%mul3A_0, %dma_wait3A_19] : memref<10240x128xf32, #tpu.memory_space<vmem_shared>> -> memref<640x128xf32, #tpu.memory_space<vmem_shared>>
      tpu.wait_dma2 semaphore(%run_scoped3A : memref<!tpu.dma_semaphore, #tpu.memory_space<semaphore_mem>>) src(%dma_wait3A_20 : memref<640x128xf32, #tpu.memory_space<vmem_shared>>) dst(%dma_wait3A_18 : memref<640x128xf32, #tpu.memory_space<hbm>>)
      tpu.yield
    }) : () -> ()
    return
  }
}

#map = affine_map<(d0, d1) -> (0, 0, 0)>
#map1 = affine_map<(d0, d1) -> (0, 0)>
module attributes {stable_mosaic.version = 14 : i64} {
  func.func @_sc_message(%arg0: i32, %arg1: i32, %arg2: memref<2x10240x128xf32, #tpu.memory_space<hbm>>, %arg3: memref<16x80x128xi32, #tpu.memory_space<hbm>>, %arg4: memref<16x80x128xi32, #tpu.memory_space<hbm>>, %arg5: memref<10240x128xf32, #tpu.memory_space<hbm>>, %arg6: memref<2x10240x128xf32, #tpu.memory_space<hbm>>, %arg7: memref<80x128xi32, #tpu.memory_space<vmem>>, %arg8: memref<80x128xi32, #tpu.memory_space<vmem>>, %arg9: memref<128x128xf32, #tpu.memory_space<vmem>>, %arg10: memref<10240x128xf32, #tpu.memory_space<vmem_shared>>, %arg11: memref<!tpu.dma_semaphore, #tpu.memory_space<semaphore_mem>>) attributes {dimension_semantics = [#tpu.dimension_semantics<core_parallel>, #tpu.dimension_semantics<subcore_parallel>], iteration_bounds = array<i64: 2, 16>, scalar_prefetch = 0 : i64, scratch_operands = 5 : i64, tpu.core_type = #tpu.core_type<sc_vector_subcore>, window_params = [{transform_indices = #map}, {transform_indices = #map}, {transform_indices = #map}, {transform_indices = #map1}, {transform_indices = #map}]} {
    %mul3A = arith.constant 640 : i32
    %mul3A_0 = arith.muli %arg1, %mul3A : i32
    "tpu.region"() ({
      %run_scoped3A = tpu.sem_alloc : memref<!tpu.dma_semaphore, #tpu.memory_space<semaphore_mem>>
      %dma_start3A = arith.constant 0 : i32
      %dma_start3A_7 = tpu.memref_slice %arg10[%mul3A_0, %dma_start3A] : memref<10240x128xf32, #tpu.memory_space<vmem_shared>> -> memref<640x128xf32, #tpu.memory_space<vmem_shared>>
      %dma_start3A_8 = arith.constant 0 : i32
      %dma_start3A_9 = tpu.memref_slice %arg5[%mul3A_0, %dma_start3A_8] : memref<10240x128xf32, #tpu.memory_space<hbm>> -> memref<640x128xf32, #tpu.memory_space<hbm>>
      tpu.enqueue_dma source(%dma_start3A_9 : memref<640x128xf32, #tpu.memory_space<hbm>>) target(%dma_start3A_7 : memref<640x128xf32, #tpu.memory_space<vmem_shared>>) target_semaphore(%run_scoped3A : memref<!tpu.dma_semaphore, #tpu.memory_space<semaphore_mem>>)
      %dma_wait3A = arith.constant 0 : i32
      %dma_wait3A_10 = tpu.memref_slice %arg10[%mul3A_0, %dma_wait3A] : memref<10240x128xf32, #tpu.memory_space<vmem_shared>> -> memref<640x128xf32, #tpu.memory_space<vmem_shared>>
      %dma_wait3A_11 = arith.constant 0 : i32
      %dma_wait3A_12 = tpu.memref_slice %arg5[%mul3A_0, %dma_wait3A_11] : memref<10240x128xf32, #tpu.memory_space<hbm>> -> memref<640x128xf32, #tpu.memory_space<hbm>>
      tpu.wait_dma2 semaphore(%run_scoped3A : memref<!tpu.dma_semaphore, #tpu.memory_space<semaphore_mem>>) src(%dma_wait3A_12 : memref<640x128xf32, #tpu.memory_space<hbm>>) dst(%dma_wait3A_10 : memref<640x128xf32, #tpu.memory_space<vmem_shared>>)
      tpu.yield
    }) : () -> ()
    "tpu.region"() ({
      %run_scoped3A = tpu.sem_alloc : memref<!tpu.dma_semaphore, #tpu.memory_space<semaphore_mem>>
      %dma_start3A = arith.constant 0 : i32
      %dma_start3A_7 = arith.constant 0 : i32
      %dma_start3A_8 = tpu.memref_slice %arg3[%arg1, %dma_start3A, %dma_start3A_7] : memref<16x80x128xi32, #tpu.memory_space<hbm>> -> memref<1x80x128xi32, #tpu.memory_space<hbm>>
      %dma_start3A_9 = tpu.memref_squeeze %dma_start3A_8 : memref<1x80x128xi32, #tpu.memory_space<hbm>> -> memref<80x128xi32, #tpu.memory_space<hbm>>
      %dma_start3A_10 = arith.constant 0 : i32
      %dma_start3A_11 = arith.constant 0 : i32
      %dma_start3A_12 = tpu.memref_slice %arg3[%arg1, %dma_start3A_10, %dma_start3A_11] : memref<16x80x128xi32, #tpu.memory_space<hbm>> -> memref<1x80x128xi32, #tpu.memory_space<hbm>>
      %dma_start3A_13 = tpu.memref_squeeze %dma_start3A_12 : memref<1x80x128xi32, #tpu.memory_space<hbm>> -> memref<80x128xi32, #tpu.memory_space<hbm>>
      tpu.enqueue_dma source(%dma_start3A_13 : memref<80x128xi32, #tpu.memory_space<hbm>>) target(%arg7 : memref<80x128xi32, #tpu.memory_space<vmem>>) target_semaphore(%run_scoped3A : memref<!tpu.dma_semaphore, #tpu.memory_space<semaphore_mem>>)
      %dma_wait3A = arith.constant 0 : i32
      %dma_wait3A_14 = arith.constant 0 : i32
      %dma_wait3A_15 = tpu.memref_slice %arg3[%arg1, %dma_wait3A, %dma_wait3A_14] : memref<16x80x128xi32, #tpu.memory_space<hbm>> -> memref<1x80x128xi32, #tpu.memory_space<hbm>>
      %dma_wait3A_16 = tpu.memref_squeeze %dma_wait3A_15 : memref<1x80x128xi32, #tpu.memory_space<hbm>> -> memref<80x128xi32, #tpu.memory_space<hbm>>
      %dma_wait3A_17 = arith.constant 0 : i32
      %dma_wait3A_18 = arith.constant 0 : i32
      %dma_wait3A_19 = tpu.memref_slice %arg3[%arg1, %dma_wait3A_17, %dma_wait3A_18] : memref<16x80x128xi32, #tpu.memory_space<hbm>> -> memref<1x80x128xi32, #tpu.memory_space<hbm>>
      %dma_wait3A_20 = tpu.memref_squeeze %dma_wait3A_19 : memref<1x80x128xi32, #tpu.memory_space<hbm>> -> memref<80x128xi32, #tpu.memory_space<hbm>>
      tpu.wait_dma2 semaphore(%run_scoped3A : memref<!tpu.dma_semaphore, #tpu.memory_space<semaphore_mem>>) src(%dma_wait3A_20 : memref<80x128xi32, #tpu.memory_space<hbm>>) dst(%arg7 : memref<80x128xi32, #tpu.memory_space<vmem>>)
      tpu.yield
    }) : () -> ()
    "tpu.region"() ({
      %run_scoped3A = tpu.sem_alloc : memref<!tpu.dma_semaphore, #tpu.memory_space<semaphore_mem>>
      %dma_start3A = arith.constant 0 : i32
      %dma_start3A_7 = arith.constant 0 : i32
      %dma_start3A_8 = tpu.memref_slice %arg4[%arg1, %dma_start3A, %dma_start3A_7] : memref<16x80x128xi32, #tpu.memory_space<hbm>> -> memref<1x80x128xi32, #tpu.memory_space<hbm>>
      %dma_start3A_9 = tpu.memref_squeeze %dma_start3A_8 : memref<1x80x128xi32, #tpu.memory_space<hbm>> -> memref<80x128xi32, #tpu.memory_space<hbm>>
      %dma_start3A_10 = arith.constant 0 : i32
      %dma_start3A_11 = arith.constant 0 : i32
      %dma_start3A_12 = tpu.memref_slice %arg4[%arg1, %dma_start3A_10, %dma_start3A_11] : memref<16x80x128xi32, #tpu.memory_space<hbm>> -> memref<1x80x128xi32, #tpu.memory_space<hbm>>
      %dma_start3A_13 = tpu.memref_squeeze %dma_start3A_12 : memref<1x80x128xi32, #tpu.memory_space<hbm>> -> memref<80x128xi32, #tpu.memory_space<hbm>>
      tpu.enqueue_dma source(%dma_start3A_13 : memref<80x128xi32, #tpu.memory_space<hbm>>) target(%arg8 : memref<80x128xi32, #tpu.memory_space<vmem>>) target_semaphore(%run_scoped3A : memref<!tpu.dma_semaphore, #tpu.memory_space<semaphore_mem>>)
      %dma_wait3A = arith.constant 0 : i32
      %dma_wait3A_14 = arith.constant 0 : i32
      %dma_wait3A_15 = tpu.memref_slice %arg4[%arg1, %dma_wait3A, %dma_wait3A_14] : memref<16x80x128xi32, #tpu.memory_space<hbm>> -> memref<1x80x128xi32, #tpu.memory_space<hbm>>
      %dma_wait3A_16 = tpu.memref_squeeze %dma_wait3A_15 : memref<1x80x128xi32, #tpu.memory_space<hbm>> -> memref<80x128xi32, #tpu.memory_space<hbm>>
      %dma_wait3A_17 = arith.constant 0 : i32
      %dma_wait3A_18 = arith.constant 0 : i32
      %dma_wait3A_19 = tpu.memref_slice %arg4[%arg1, %dma_wait3A_17, %dma_wait3A_18] : memref<16x80x128xi32, #tpu.memory_space<hbm>> -> memref<1x80x128xi32, #tpu.memory_space<hbm>>
      %dma_wait3A_20 = tpu.memref_squeeze %dma_wait3A_19 : memref<1x80x128xi32, #tpu.memory_space<hbm>> -> memref<80x128xi32, #tpu.memory_space<hbm>>
      tpu.wait_dma2 semaphore(%run_scoped3A : memref<!tpu.dma_semaphore, #tpu.memory_space<semaphore_mem>>) src(%dma_wait3A_20 : memref<80x128xi32, #tpu.memory_space<hbm>>) dst(%arg8 : memref<80x128xi32, #tpu.memory_space<vmem>>)
      tpu.yield
    }) : () -> ()
    %barrier3A = arith.constant 0 : index
    tpu.barrier barrier_id(%barrier3A)
    %scan3A = arith.constant 0 : i32
    %scan3A_1 = arith.constant 0 : i32
    %scan3A_2 = arith.constant 80 : i32
    %scan3A_3 = arith.addi %scan3A_1, %scan3A_2 : i32
    %scan3A_4 = arith.constant 1 : i32
    scf.for %scan3A_7 = %scan3A_1 to %scan3A_3 step %scan3A_4  : i32 {
      %dma_start3A = arith.constant 0 : i32
      %dma_start3A_8 = tpu.memref_slice %arg7[%scan3A_7, %dma_start3A] : memref<80x128xi32, #tpu.memory_space<vmem>> -> memref<1x128xi32, #tpu.memory_space<vmem>>
      %dma_start3A_9 = tpu.memref_squeeze %dma_start3A_8 : memref<1x128xi32, #tpu.memory_space<vmem>> -> memref<128xi32, #tpu.memory_space<vmem>>
      %dma_start3A_10 = arith.constant 0 : i32
      %dma_start3A_11 = arith.constant 0 : i32
      %dma_start3A_12 = tpu.memref_slice %arg2[%arg0, %dma_start3A_10, %dma_start3A_11] : memref<2x10240x128xf32, #tpu.memory_space<hbm>> -> memref<1x10240x128xf32, #tpu.memory_space<hbm>>
      %dma_start3A_13 = tpu.memref_squeeze %dma_start3A_12 : memref<1x10240x128xf32, #tpu.memory_space<hbm>> -> memref<10240x128xf32, #tpu.memory_space<hbm>>
      %dma_start3A_14 = arith.constant 0 : i32
      %dma_start3A_15 = arith.constant 0 : i32
      %dma_start3A_16 = tpu.memref_slice %dma_start3A_13[%dma_start3A_14, %dma_start3A_15] : memref<10240x128xf32, #tpu.memory_space<hbm>> -> memref<10240x128xf32, #tpu.memory_space<hbm>>
      tpu.enqueue_indirect_dma source(%dma_start3A_16 : memref<10240x128xf32, #tpu.memory_space<hbm>>) target(%arg9 : memref<128x128xf32, #tpu.memory_space<vmem>>) offsets(%dma_start3A_9 : memref<128xi32, #tpu.memory_space<vmem>>) semaphore(%arg11 : memref<!tpu.dma_semaphore, #tpu.memory_space<semaphore_mem>>)
      %dma_wait3A = arith.constant 0 : i32
      %dma_wait3A_17 = tpu.memref_slice %arg7[%scan3A_7, %dma_wait3A] : memref<80x128xi32, #tpu.memory_space<vmem>> -> memref<1x128xi32, #tpu.memory_space<vmem>>
      %dma_wait3A_18 = tpu.memref_squeeze %dma_wait3A_17 : memref<1x128xi32, #tpu.memory_space<vmem>> -> memref<128xi32, #tpu.memory_space<vmem>>
      %dma_wait3A_19 = arith.constant 0 : i32
      %dma_wait3A_20 = arith.constant 0 : i32
      %dma_wait3A_21 = tpu.memref_slice %arg2[%arg0, %dma_wait3A_19, %dma_wait3A_20] : memref<2x10240x128xf32, #tpu.memory_space<hbm>> -> memref<1x10240x128xf32, #tpu.memory_space<hbm>>
      %dma_wait3A_22 = tpu.memref_squeeze %dma_wait3A_21 : memref<1x10240x128xf32, #tpu.memory_space<hbm>> -> memref<10240x128xf32, #tpu.memory_space<hbm>>
      %dma_wait3A_23 = arith.constant 0 : i32
      %dma_wait3A_24 = arith.constant 0 : i32
      %dma_wait3A_25 = tpu.memref_slice %dma_wait3A_22[%dma_wait3A_23, %dma_wait3A_24] : memref<10240x128xf32, #tpu.memory_space<hbm>> -> memref<10240x128xf32, #tpu.memory_space<hbm>>
      tpu.wait_indirect_dma semaphore(%arg11 : memref<!tpu.dma_semaphore, #tpu.memory_space<semaphore_mem>>) src(%dma_wait3A_25 : memref<10240x128xf32, #tpu.memory_space<hbm>>) dst(%arg9 : memref<128x128xf32, #tpu.memory_space<vmem>>)
      "tpu.region"() ({
        %run_scoped3A = tpu.sem_alloc : memref<!tpu.dma_semaphore, #tpu.memory_space<semaphore_mem>>
        %dma_start3A_26 = arith.constant 0 : i32
        %dma_start3A_27 = tpu.memref_slice %arg8[%scan3A_7, %dma_start3A_26] : memref<80x128xi32, #tpu.memory_space<vmem>> -> memref<1x128xi32, #tpu.memory_space<vmem>>
        %dma_start3A_28 = tpu.memref_squeeze %dma_start3A_27 : memref<1x128xi32, #tpu.memory_space<vmem>> -> memref<128xi32, #tpu.memory_space<vmem>>
        %dma_start3A_29 = arith.constant 0 : i32
        %dma_start3A_30 = arith.constant 0 : i32
        %dma_start3A_31 = tpu.memref_slice %arg10[%dma_start3A_29, %dma_start3A_30] : memref<10240x128xf32, #tpu.memory_space<vmem_shared>> -> memref<10240x128xf32, #tpu.memory_space<vmem_shared>>
        tpu.enqueue_indirect_dma source(%arg9 : memref<128x128xf32, #tpu.memory_space<vmem>>) target(%dma_start3A_31 : memref<10240x128xf32, #tpu.memory_space<vmem_shared>>) offsets(%dma_start3A_28 : memref<128xi32, #tpu.memory_space<vmem>>) semaphore(%run_scoped3A : memref<!tpu.dma_semaphore, #tpu.memory_space<semaphore_mem>>) {add = true}
        %dma_wait3A_32 = arith.constant 0 : i32
        %dma_wait3A_33 = tpu.memref_slice %arg8[%scan3A_7, %dma_wait3A_32] : memref<80x128xi32, #tpu.memory_space<vmem>> -> memref<1x128xi32, #tpu.memory_space<vmem>>
        %dma_wait3A_34 = tpu.memref_squeeze %dma_wait3A_33 : memref<1x128xi32, #tpu.memory_space<vmem>> -> memref<128xi32, #tpu.memory_space<vmem>>
        %dma_wait3A_35 = arith.constant 0 : i32
        %dma_wait3A_36 = arith.constant 0 : i32
        %dma_wait3A_37 = tpu.memref_slice %arg10[%dma_wait3A_35, %dma_wait3A_36] : memref<10240x128xf32, #tpu.memory_space<vmem_shared>> -> memref<10240x128xf32, #tpu.memory_space<vmem_shared>>
        tpu.wait_indirect_dma semaphore(%run_scoped3A : memref<!tpu.dma_semaphore, #tpu.memory_space<semaphore_mem>>) src(%arg9 : memref<128x128xf32, #tpu.memory_space<vmem>>) dst(%dma_wait3A_37 : memref<10240x128xf32, #tpu.memory_space<vmem_shared>>)
        tpu.yield
      }) : () -> ()
    }
    %scan3A_5 = arith.constant 80 : i32
    %barrier3A_6 = arith.constant 0 : index
    tpu.barrier barrier_id(%barrier3A_6)
    "tpu.region"() ({
      %run_scoped3A = tpu.sem_alloc : memref<!tpu.dma_semaphore, #tpu.memory_space<semaphore_mem>>
      %dma_start3A = arith.constant 0 : i32
      %dma_start3A_7 = arith.constant 0 : i32
      %dma_start3A_8 = tpu.memref_slice %arg6[%arg0, %dma_start3A, %dma_start3A_7] : memref<2x10240x128xf32, #tpu.memory_space<hbm>> -> memref<1x10240x128xf32, #tpu.memory_space<hbm>>
      %dma_start3A_9 = tpu.memref_squeeze %dma_start3A_8 : memref<1x10240x128xf32, #tpu.memory_space<hbm>> -> memref<10240x128xf32, #tpu.memory_space<hbm>>
      %dma_start3A_10 = arith.constant 0 : i32
      %dma_start3A_11 = tpu.memref_slice %dma_start3A_9[%mul3A_0, %dma_start3A_10] : memref<10240x128xf32, #tpu.memory_space<hbm>> -> memref<640x128xf32, #tpu.memory_space<hbm>>
      %dma_start3A_12 = arith.constant 0 : i32
      %dma_start3A_13 = tpu.memref_slice %arg10[%mul3A_0, %dma_start3A_12] : memref<10240x128xf32, #tpu.memory_space<vmem_shared>> -> memref<640x128xf32, #tpu.memory_space<vmem_shared>>
      tpu.enqueue_dma source(%dma_start3A_13 : memref<640x128xf32, #tpu.memory_space<vmem_shared>>) target(%dma_start3A_11 : memref<640x128xf32, #tpu.memory_space<hbm>>) target_semaphore(%run_scoped3A : memref<!tpu.dma_semaphore, #tpu.memory_space<semaphore_mem>>)
      %dma_wait3A = arith.constant 0 : i32
      %dma_wait3A_14 = arith.constant 0 : i32
      %dma_wait3A_15 = tpu.memref_slice %arg6[%arg0, %dma_wait3A, %dma_wait3A_14] : memref<2x10240x128xf32, #tpu.memory_space<hbm>> -> memref<1x10240x128xf32, #tpu.memory_space<hbm>>
      %dma_wait3A_16 = tpu.memref_squeeze %dma_wait3A_15 : memref<1x10240x128xf32, #tpu.memory_space<hbm>> -> memref<10240x128xf32, #tpu.memory_space<hbm>>
      %dma_wait3A_17 = arith.constant 0 : i32
      %dma_wait3A_18 = tpu.memref_slice %dma_wait3A_16[%mul3A_0, %dma_wait3A_17] : memref<10240x128xf32, #tpu.memory_space<hbm>> -> memref<640x128xf32, #tpu.memory_space<hbm>>
      %dma_wait3A_19 = arith.constant 0 : i32
      %dma_wait3A_20 = tpu.memref_slice %arg10[%mul3A_0, %dma_wait3A_19] : memref<10240x128xf32, #tpu.memory_space<vmem_shared>> -> memref<640x128xf32, #tpu.memory_space<vmem_shared>>
      tpu.wait_dma2 semaphore(%run_scoped3A : memref<!tpu.dma_semaphore, #tpu.memory_space<semaphore_mem>>) src(%dma_wait3A_20 : memref<640x128xf32, #tpu.memory_space<vmem_shared>>) dst(%dma_wait3A_18 : memref<640x128xf32, #tpu.memory_space<hbm>>)
      tpu.yield
    }) : () -> ()
    return
  }
}

module attributes {stable_mosaic.version = 14 : i64} {
  func.func @_tc1_body(%arg0: i32, %arg1: i32, %arg2: memref<2x1024xf32, #tpu.memory_space<vmem>>, %arg3: memref<1024x256xf32, #tpu.memory_space<vmem>>, %arg4: memref<256x128xf32, #tpu.memory_space<vmem>>, %arg5: memref<1x1024x128xf32, #tpu.memory_space<vmem>>, %arg6: memref<2x1024xf32, #tpu.memory_space<vmem>>) attributes {dimension_semantics = [#tpu.dimension_semantics<arbitrary>, #tpu.dimension_semantics<arbitrary>], iteration_bounds = array<i64: 10, 2>, scalar_prefetch = 0 : i64, scratch_operands = 0 : i64, tpu.core_type = #tpu.core_type<tc>, window_params = [{transform_indices = @transform_0, window_bounds = array<i64: 2, 1024>}, {transform_indices = @transform_1, window_bounds = array<i64: 1024, 256>}, {transform_indices = @transform_2, window_bounds = array<i64: 256, 128>}, {transform_indices = @transform_3, window_bounds = array<i64: 1, 1024, 128>}, {transform_indices = @transform_4, window_bounds = array<i64: 2, 1024>}]} {
    %get3A = arith.constant 0 : index
    %get3A_0 = arith.constant 0 : index
    %get3A_1 = vector.load %arg2[%get3A, %get3A_0] : memref<2x1024xf32, #tpu.memory_space<vmem>>, vector<2x1024xf32>
    %add3A = arith.constant 1.000000e+00 : f32
    %add3A_2 = vector.broadcast %add3A : f32 to vector<2x1024xf32>
    %add3A_3 = arith.addf %get3A_1, %add3A_2 : vector<2x1024xf32>
    %rsqrt3A = math.rsqrt %add3A_3 : vector<2x1024xf32>
    %swap3A = arith.constant 0 : index
    %swap3A_4 = arith.constant 0 : index
    %swap3A_5 = vector.load %arg6[%swap3A, %swap3A_4] : memref<2x1024xf32, #tpu.memory_space<vmem>>, vector<2x1024xf32>
    tpu.vector_store %arg6[%swap3A, %swap3A_4], %rsqrt3A {strides = array<i32>} : memref<2x1024xf32, #tpu.memory_space<vmem>>, vector<2x1024xf32>,
    %get3A_6 = arith.constant 0 : index
    %get3A_7 = arith.constant 0 : index
    %get3A_8 = vector.load %arg3[%get3A_6, %get3A_7] : memref<1024x256xf32, #tpu.memory_space<vmem>>, vector<1024x256xf32>
    %get3A_9 = arith.constant 0 : index
    %get3A_10 = arith.constant 0 : index
    %get3A_11 = vector.load %arg4[%get3A_9, %get3A_10] : memref<256x128xf32, #tpu.memory_space<vmem>>, vector<256x128xf32>
    %dot_general3A = arith.constant dense<0.000000e+00> : vector<1024x128xf32>
    %dot_general3A_12 = tpu.matmul %get3A_8, %get3A_11, %dot_general3A {dimension_numbers = #tpu.dot_dimension_numbers<[1], [0], [0], [1], [0, 0, 1, 1], [], []>, precision = #tpu.contract_precision<fp32>, transpose_lhs_hint = false} : vector<1024x256xf32>, vector<256x128xf32>, vector<1024x128xf32> -> vector<1024x128xf32>
    %slice3A = vector.extract_strided_slice %rsqrt3A {offsets = [0, 0], sizes = [1, 1024], strides = [1, 1]} : vector<2x1024xf32> to vector<1x1024xf32>
    %squeeze3A = vector.shape_cast %slice3A : vector<1x1024xf32> to vector<1024xf32>
    %broadcast_in_dim3A = vector.shape_cast %squeeze3A : vector<1024xf32> to vector<1024x1xf32>
    %mul3A = vector.broadcast %broadcast_in_dim3A : vector<1024x1xf32> to vector<1024x128xf32>
    %mul3A_13 = arith.mulf %dot_general3A_12, %mul3A : vector<1024x128xf32>
    %broadcast_in_dim3A_14 = vector.shape_cast %mul3A_13 : vector<1024x128xf32> to vector<1x1024x128xf32>
    %swap3A_15 = arith.constant 0 : index
    %swap3A_16 = arith.constant 0 : index
    %swap3A_17 = arith.constant 0 : index
    %swap3A_18 = vector.load %arg5[%swap3A_15, %swap3A_16, %swap3A_17] : memref<1x1024x128xf32, #tpu.memory_space<vmem>>, vector<1x1024x128xf32>
    tpu.vector_store %arg5[%swap3A_15, %swap3A_16, %swap3A_17], %broadcast_in_dim3A_14 {strides = array<i32>} : memref<1x1024x128xf32, #tpu.memory_space<vmem>>, vector<1x1024x128xf32>,
    return
  }
  func.func @transform_0(%arg0: i32, %arg1: i32) -> (i32, i32) {
    %c0_i32 = arith.constant 0 : i32
    %c0_i32_0 = arith.constant 0 : i32
    return %c0_i32, %arg0 : i32, i32
  }
  func.func @transform_1(%arg0: i32, %arg1: i32) -> (i32, i32) {
    %c0_i32 = arith.constant 0 : i32
    %c0_i32_0 = arith.constant 0 : i32
    return %arg0, %c0_i32 : i32, i32
  }
  func.func @transform_2(%arg0: i32, %arg1: i32) -> (i32, i32) {
    %c0_i32 = arith.constant 0 : i32
    %c0_i32_0 = arith.constant 0 : i32
    return %c0_i32, %arg1 : i32, i32
  }
  func.func @transform_3(%arg0: i32, %arg1: i32) -> (i32, i32, i32) {
    %c0_i32 = arith.constant 0 : i32
    %c0_i32_0 = arith.constant 0 : i32
    return %arg1, %arg0, %c0_i32 : i32, i32, i32
  }
  func.func @transform_4(%arg0: i32, %arg1: i32) -> (i32, i32) {
    %c0_i32 = arith.constant 0 : i32
    %c0_i32_0 = arith.constant 0 : i32
    return %c0_i32, %arg0 : i32, i32
  }
}

module attributes {stable_mosaic.version = 14 : i64} {
  func.func @_tc2_body(%arg0: i32, %arg1: i32, %arg2: memref<2x1024x128xf32, #tpu.memory_space<vmem>>, %arg3: memref<2x1024x128xf32, #tpu.memory_space<vmem>>, %arg4: memref<2x1024xf32, #tpu.memory_space<vmem>>, %arg5: memref<1x256xf32, #tpu.memory_space<vmem>>, %arg6: memref<256x128xf32, #tpu.memory_space<vmem>>, %arg7: memref<1x1024x128xf32, #tpu.memory_space<vmem>>) attributes {dimension_semantics = [#tpu.dimension_semantics<arbitrary>, #tpu.dimension_semantics<arbitrary>], iteration_bounds = array<i64: 10, 2>, scalar_prefetch = 0 : i64, scratch_operands = 0 : i64, tpu.core_type = #tpu.core_type<tc>, window_params = [{transform_indices = @transform_0, window_bounds = array<i64: 2, 1024, 128>}, {transform_indices = @transform_1, window_bounds = array<i64: 2, 1024, 128>}, {transform_indices = @transform_2, window_bounds = array<i64: 2, 1024>}, {pipeline_mode = #tpu.pipeline_mode<synchronous>, transform_indices = @transform_3, window_bounds = array<i64: 1, 256>}, {transform_indices = @transform_4, window_bounds = array<i64: 256, 128>}, {transform_indices = @transform_5, window_bounds = array<i64: 1, 1024, 128>}]} {
    %get3A = arith.constant 0 : index
    %get3A_0 = arith.constant 0 : index
    %get3A_1 = arith.constant 0 : index
    %get3A_2 = vector.load %arg2[%get3A, %get3A_0, %get3A_1] : memref<2x1024x128xf32, #tpu.memory_space<vmem>>, vector<2x1024x128xf32>
    %get3A_3 = arith.constant 0 : index
    %get3A_4 = arith.constant 0 : index
    %get3A_5 = arith.constant 0 : index
    %get3A_6 = vector.load %arg3[%get3A_3, %get3A_4, %get3A_5] : memref<2x1024x128xf32, #tpu.memory_space<vmem>>, vector<2x1024x128xf32>
    %get3A_7 = arith.constant 0 : index
    %get3A_8 = arith.constant 0 : index
    %get3A_9 = vector.load %arg4[%get3A_7, %get3A_8] : memref<2x1024xf32, #tpu.memory_space<vmem>>, vector<2x1024xf32>
    %slice3A = vector.extract_strided_slice %get3A_2 {offsets = [0, 0, 0], sizes = [1, 1024, 128], strides = [1, 1, 1]} : vector<2x1024x128xf32> to vector<1x1024x128xf32>
    %squeeze3A = vector.shape_cast %slice3A : vector<1x1024x128xf32> to vector<1024x128xf32>
    %slice3A_10 = vector.extract_strided_slice %get3A_6 {offsets = [0, 0, 0], sizes = [1, 1024, 128], strides = [1, 1, 1]} : vector<2x1024x128xf32> to vector<1x1024x128xf32>
    %squeeze3A_11 = vector.shape_cast %slice3A_10 : vector<1x1024x128xf32> to vector<1024x128xf32>
    %add3A = arith.addf %squeeze3A, %squeeze3A_11 : vector<1024x128xf32>
    %slice3A_12 = vector.extract_strided_slice %get3A_2 {offsets = [1, 0, 0], sizes = [1, 1024, 128], strides = [1, 1, 1]} : vector<2x1024x128xf32> to vector<1x1024x128xf32>
    %squeeze3A_13 = vector.shape_cast %slice3A_12 : vector<1x1024x128xf32> to vector<1024x128xf32>
    %slice3A_14 = vector.extract_strided_slice %get3A_6 {offsets = [1, 0, 0], sizes = [1, 1024, 128], strides = [1, 1, 1]} : vector<2x1024x128xf32> to vector<1x1024x128xf32>
    %squeeze3A_15 = vector.shape_cast %slice3A_14 : vector<1x1024x128xf32> to vector<1024x128xf32>
    %add3A_16 = arith.addf %squeeze3A_13, %squeeze3A_15 : vector<1024x128xf32>
    %concatenate3A = tpu.concatenate %add3A, %add3A_16 in 1 : vector<1024x128xf32>, vector<1024x128xf32> -> vector<1024x256xf32>
    %slice3A_17 = vector.extract_strided_slice %get3A_9 {offsets = [1, 0], sizes = [1, 1024], strides = [1, 1]} : vector<2x1024xf32> to vector<1x1024xf32>
    %squeeze3A_18 = vector.shape_cast %slice3A_17 : vector<1x1024xf32> to vector<1024xf32>
    %broadcast_in_dim3A = vector.shape_cast %squeeze3A_18 : vector<1024xf32> to vector<1024x1xf32>
    %mul3A = vector.broadcast %broadcast_in_dim3A : vector<1024x1xf32> to vector<1024x256xf32>
    %mul3A_19 = arith.mulf %concatenate3A, %mul3A : vector<1024x256xf32>
    %get3A_20 = arith.constant 0 : index
    %get3A_21 = arith.constant 0 : index
    %get3A_22 = vector.load %arg5[%get3A_20, %get3A_21] : memref<1x256xf32, #tpu.memory_space<vmem>>, vector<1x256xf32>
    %add3A_23 = vector.broadcast %get3A_22 : vector<1x256xf32> to vector<1024x256xf32>
    %add3A_24 = arith.addf %mul3A_19, %add3A_23 : vector<1024x256xf32>
    %max3A = arith.constant 0.000000e+00 : f32
    %max3A_25 = vector.broadcast %max3A : f32 to vector<1024x256xf32>
    %max3A_26 = arith.maximumf %add3A_24, %max3A_25 : vector<1024x256xf32>
    %get3A_27 = arith.constant 0 : index
    %get3A_28 = arith.constant 0 : index
    %get3A_29 = vector.load %arg6[%get3A_27, %get3A_28] : memref<256x128xf32, #tpu.memory_space<vmem>>, vector<256x128xf32>
    %dot_general3A = arith.constant dense<0.000000e+00> : vector<1024x128xf32>
    %dot_general3A_30 = tpu.matmul %max3A_26, %get3A_29, %dot_general3A {dimension_numbers = #tpu.dot_dimension_numbers<[1], [0], [0], [1], [0, 0, 1, 1], [], []>, precision = #tpu.contract_precision<fp32>, transpose_lhs_hint = false} : vector<1024x256xf32>, vector<256x128xf32>, vector<1024x128xf32> -> vector<1024x128xf32>
    %slice3A_31 = vector.extract_strided_slice %get3A_9 {offsets = [0, 0], sizes = [1, 1024], strides = [1, 1]} : vector<2x1024xf32> to vector<1x1024xf32>
    %squeeze3A_32 = vector.shape_cast %slice3A_31 : vector<1x1024xf32> to vector<1024xf32>
    %broadcast_in_dim3A_33 = vector.shape_cast %squeeze3A_32 : vector<1024xf32> to vector<1024x1xf32>
    %mul3A_34 = vector.broadcast %broadcast_in_dim3A_33 : vector<1024x1xf32> to vector<1024x128xf32>
    %mul3A_35 = arith.mulf %dot_general3A_30, %mul3A_34 : vector<1024x128xf32>
    %broadcast_in_dim3A_36 = vector.shape_cast %mul3A_35 : vector<1024x128xf32> to vector<1x1024x128xf32>
    %swap3A = arith.constant 0 : index
    %swap3A_37 = arith.constant 0 : index
    %swap3A_38 = arith.constant 0 : index
    %swap3A_39 = vector.load %arg7[%swap3A, %swap3A_37, %swap3A_38] : memref<1x1024x128xf32, #tpu.memory_space<vmem>>, vector<1x1024x128xf32>
    tpu.vector_store %arg7[%swap3A, %swap3A_37, %swap3A_38], %broadcast_in_dim3A_36 {strides = array<i32>} : memref<1x1024x128xf32, #tpu.memory_space<vmem>>, vector<1x1024x128xf32>,
    return
  }
  func.func @transform_0(%arg0: i32, %arg1: i32) -> (i32, i32, i32) {
    %c0_i32 = arith.constant 0 : i32
    %c0_i32_0 = arith.constant 0 : i32
    %c0_i32_1 = arith.constant 0 : i32
    return %c0_i32, %arg0, %c0_i32_0 : i32, i32, i32
  }
  func.func @transform_1(%arg0: i32, %arg1: i32) -> (i32, i32, i32) {
    %c0_i32 = arith.constant 0 : i32
    %c0_i32_0 = arith.constant 0 : i32
    %c0_i32_1 = arith.constant 0 : i32
    return %c0_i32, %arg0, %c0_i32_0 : i32, i32, i32
  }
  func.func @transform_2(%arg0: i32, %arg1: i32) -> (i32, i32) {
    %c0_i32 = arith.constant 0 : i32
    %c0_i32_0 = arith.constant 0 : i32
    return %c0_i32, %arg0 : i32, i32
  }
  func.func @transform_3(%arg0: i32, %arg1: i32) -> (i32, i32) {
    %c0_i32 = arith.constant 0 : i32
    %c0_i32_0 = arith.constant 0 : i32
    %c0_i32_1 = arith.constant 0 : i32
    return %c0_i32, %c0_i32_0 : i32, i32
  }
  func.func @transform_4(%arg0: i32, %arg1: i32) -> (i32, i32) {
    %c0_i32 = arith.constant 0 : i32
    %c0_i32_0 = arith.constant 0 : i32
    return %c0_i32, %arg1 : i32, i32
  }
  func.func @transform_5(%arg0: i32, %arg1: i32) -> (i32, i32, i32) {
    %c0_i32 = arith.constant 0 : i32
    %c0_i32_0 = arith.constant 0 : i32
    return %arg1, %arg0, %c0_i32 : i32, i32, i32
  }
}

module attributes {stable_mosaic.version = 14 : i64} {
  func.func @_tc3_body(%arg0: i32, %arg1: memref<2x1024x128xf32, #tpu.memory_space<vmem>>, %arg2: memref<2x1024x128xf32, #tpu.memory_space<vmem>>, %arg3: memref<2x1024xf32, #tpu.memory_space<vmem>>, %arg4: memref<1x256xf32, #tpu.memory_space<vmem>>, %arg5: memref<256x10xf32, #tpu.memory_space<vmem>>, %arg6: memref<1x10xf32, #tpu.memory_space<vmem>>, %arg7: memref<1024x10xf32, #tpu.memory_space<vmem>>) attributes {dimension_semantics = [#tpu.dimension_semantics<arbitrary>], iteration_bounds = array<i64: 10>, scalar_prefetch = 0 : i64, scratch_operands = 0 : i64, tpu.core_type = #tpu.core_type<tc>, window_params = [{transform_indices = @transform_0, window_bounds = array<i64: 2, 1024, 128>}, {transform_indices = @transform_1, window_bounds = array<i64: 2, 1024, 128>}, {transform_indices = @transform_2, window_bounds = array<i64: 2, 1024>}, {pipeline_mode = #tpu.pipeline_mode<synchronous>, transform_indices = @transform_3, window_bounds = array<i64: 1, 256>}, {pipeline_mode = #tpu.pipeline_mode<synchronous>, transform_indices = @transform_4, window_bounds = array<i64: 256, 10>}, {pipeline_mode = #tpu.pipeline_mode<synchronous>, transform_indices = @transform_5, window_bounds = array<i64: 1, 10>}, {transform_indices = @transform_6, window_bounds = array<i64: 1024, 10>}]} {
    %get3A = arith.constant 0 : index
    %get3A_0 = arith.constant 0 : index
    %get3A_1 = arith.constant 0 : index
    %get3A_2 = vector.load %arg1[%get3A, %get3A_0, %get3A_1] : memref<2x1024x128xf32, #tpu.memory_space<vmem>>, vector<2x1024x128xf32>
    %get3A_3 = arith.constant 0 : index
    %get3A_4 = arith.constant 0 : index
    %get3A_5 = arith.constant 0 : index
    %get3A_6 = vector.load %arg2[%get3A_3, %get3A_4, %get3A_5] : memref<2x1024x128xf32, #tpu.memory_space<vmem>>, vector<2x1024x128xf32>
    %get3A_7 = arith.constant 0 : index
    %get3A_8 = arith.constant 0 : index
    %get3A_9 = vector.load %arg3[%get3A_7, %get3A_8] : memref<2x1024xf32, #tpu.memory_space<vmem>>, vector<2x1024xf32>
    %slice3A = vector.extract_strided_slice %get3A_2 {offsets = [0, 0, 0], sizes = [1, 1024, 128], strides = [1, 1, 1]} : vector<2x1024x128xf32> to vector<1x1024x128xf32>
    %squeeze3A = vector.shape_cast %slice3A : vector<1x1024x128xf32> to vector<1024x128xf32>
    %slice3A_10 = vector.extract_strided_slice %get3A_6 {offsets = [0, 0, 0], sizes = [1, 1024, 128], strides = [1, 1, 1]} : vector<2x1024x128xf32> to vector<1x1024x128xf32>
    %squeeze3A_11 = vector.shape_cast %slice3A_10 : vector<1x1024x128xf32> to vector<1024x128xf32>
    %add3A = arith.addf %squeeze3A, %squeeze3A_11 : vector<1024x128xf32>
    %slice3A_12 = vector.extract_strided_slice %get3A_2 {offsets = [1, 0, 0], sizes = [1, 1024, 128], strides = [1, 1, 1]} : vector<2x1024x128xf32> to vector<1x1024x128xf32>
    %squeeze3A_13 = vector.shape_cast %slice3A_12 : vector<1x1024x128xf32> to vector<1024x128xf32>
    %slice3A_14 = vector.extract_strided_slice %get3A_6 {offsets = [1, 0, 0], sizes = [1, 1024, 128], strides = [1, 1, 1]} : vector<2x1024x128xf32> to vector<1x1024x128xf32>
    %squeeze3A_15 = vector.shape_cast %slice3A_14 : vector<1x1024x128xf32> to vector<1024x128xf32>
    %add3A_16 = arith.addf %squeeze3A_13, %squeeze3A_15 : vector<1024x128xf32>
    %concatenate3A = tpu.concatenate %add3A, %add3A_16 in 1 : vector<1024x128xf32>, vector<1024x128xf32> -> vector<1024x256xf32>
    %slice3A_17 = vector.extract_strided_slice %get3A_9 {offsets = [1, 0], sizes = [1, 1024], strides = [1, 1]} : vector<2x1024xf32> to vector<1x1024xf32>
    %squeeze3A_18 = vector.shape_cast %slice3A_17 : vector<1x1024xf32> to vector<1024xf32>
    %broadcast_in_dim3A = vector.shape_cast %squeeze3A_18 : vector<1024xf32> to vector<1024x1xf32>
    %mul3A = vector.broadcast %broadcast_in_dim3A : vector<1024x1xf32> to vector<1024x256xf32>
    %mul3A_19 = arith.mulf %concatenate3A, %mul3A : vector<1024x256xf32>
    %get3A_20 = arith.constant 0 : index
    %get3A_21 = arith.constant 0 : index
    %get3A_22 = vector.load %arg4[%get3A_20, %get3A_21] : memref<1x256xf32, #tpu.memory_space<vmem>>, vector<1x256xf32>
    %add3A_23 = vector.broadcast %get3A_22 : vector<1x256xf32> to vector<1024x256xf32>
    %add3A_24 = arith.addf %mul3A_19, %add3A_23 : vector<1024x256xf32>
    %max3A = arith.constant 0.000000e+00 : f32
    %max3A_25 = vector.broadcast %max3A : f32 to vector<1024x256xf32>
    %max3A_26 = arith.maximumf %add3A_24, %max3A_25 : vector<1024x256xf32>
    %get3A_27 = arith.constant 0 : index
    %get3A_28 = arith.constant 0 : index
    %get3A_29 = vector.load %arg5[%get3A_27, %get3A_28] : memref<256x10xf32, #tpu.memory_space<vmem>>, vector<256x10xf32>
    %dot_general3A = arith.constant dense<0.000000e+00> : vector<1024x10xf32>
    %dot_general3A_30 = tpu.matmul %max3A_26, %get3A_29, %dot_general3A {dimension_numbers = #tpu.dot_dimension_numbers<[1], [0], [0], [1], [0, 0, 1, 1], [], []>, precision = #tpu.contract_precision<fp32>, transpose_lhs_hint = false} : vector<1024x256xf32>, vector<256x10xf32>, vector<1024x10xf32> -> vector<1024x10xf32>
    %get3A_31 = arith.constant 0 : index
    %get3A_32 = arith.constant 0 : index
    %get3A_33 = vector.load %arg6[%get3A_31, %get3A_32] : memref<1x10xf32, #tpu.memory_space<vmem>>, vector<1x10xf32>
    %add3A_34 = vector.broadcast %get3A_33 : vector<1x10xf32> to vector<1024x10xf32>
    %add3A_35 = arith.addf %dot_general3A_30, %add3A_34 : vector<1024x10xf32>
    %swap3A = arith.constant 0 : index
    %swap3A_36 = arith.constant 0 : index
    %swap3A_37 = vector.load %arg7[%swap3A, %swap3A_36] : memref<1024x10xf32, #tpu.memory_space<vmem>>, vector<1024x10xf32>
    tpu.vector_store %arg7[%swap3A, %swap3A_36], %add3A_35 {strides = array<i32>} : memref<1024x10xf32, #tpu.memory_space<vmem>>, vector<1024x10xf32>,
    return
  }
  func.func @transform_0(%arg0: i32) -> (i32, i32, i32) {
    %c0_i32 = arith.constant 0 : i32
    %c0_i32_0 = arith.constant 0 : i32
    %c0_i32_1 = arith.constant 0 : i32
    return %c0_i32, %arg0, %c0_i32_0 : i32, i32, i32
  }
  func.func @transform_1(%arg0: i32) -> (i32, i32, i32) {
    %c0_i32 = arith.constant 0 : i32
    %c0_i32_0 = arith.constant 0 : i32
    %c0_i32_1 = arith.constant 0 : i32
    return %c0_i32, %arg0, %c0_i32_0 : i32, i32, i32
  }
  func.func @transform_2(%arg0: i32) -> (i32, i32) {
    %c0_i32 = arith.constant 0 : i32
    %c0_i32_0 = arith.constant 0 : i32
    return %c0_i32, %arg0 : i32, i32
  }
  func.func @transform_3(%arg0: i32) -> (i32, i32) {
    %c0_i32 = arith.constant 0 : i32
    %c0_i32_0 = arith.constant 0 : i32
    %c0_i32_1 = arith.constant 0 : i32
    return %c0_i32, %c0_i32_0 : i32, i32
  }
  func.func @transform_4(%arg0: i32) -> (i32, i32) {
    %c0_i32 = arith.constant 0 : i32
    %c0_i32_0 = arith.constant 0 : i32
    %c0_i32_1 = arith.constant 0 : i32
    return %c0_i32, %c0_i32_0 : i32, i32
  }
  func.func @transform_5(%arg0: i32) -> (i32, i32) {
    %c0_i32 = arith.constant 0 : i32
    %c0_i32_0 = arith.constant 0 : i32
    %c0_i32_1 = arith.constant 0 : i32
    return %c0_i32, %c0_i32_0 : i32, i32
  }
  func.func @transform_6(%arg0: i32) -> (i32, i32) {
    %c0_i32 = arith.constant 0 : i32
    %c0_i32_0 = arith.constant 0 : i32
    return %arg0, %c0_i32 : i32, i32
  }
}

</mosaic_0001>

<sc_bundles>
// kernel: kernel.11.cloned.1.call-start
scs
__scs_entry_jumppad:
0x0: {  	(pc) =	sbr.rel $0x88, $3  }
0x1: {  	(tag) =	ssettag $0x0;
	lr =	simm.s32 $0x1  }
0x2: {  	[smem:$0x3F99] =	sst lr;
	_ =	strace $0xD0000000  }
0x3: {  	_ = 	snop  }
0x4: {  	_ = 	snop  }
0x5: {  	_ = 	snop  }
0x6: {  	_ = 	snop  }
0x7: {  	_ = 	snop  }
__scs_overlays_trampoline_lowered:
0x8: {  	[smem:$0x3FA8] =	sst s0  }
0x9: {  	[smem:$0x3FA9] =	sst s1  }
0xa: {  	[smem:$0x3FAA] =	sst s2  }
0xb: {  	[smem:$0x3FAB] =	sst s3  }
0xc: {  	[smem:$0x3FAC] =	sst s4  }
0xd: {  	[smem:$0x3FAD] =	sst s5  }
0xe: {  	[smem:$0x3FAE] =	sst s6  }
0xf: {  	[smem:$0x3FAF] =	sst s7  }
0x10: {  	[smem:$0x3FB0] =	sst s8  }
0x11: {  	[smem:$0x3FB1] =	sst s9;
	s0 =	simm.s32 @!p0 $0x0  }
0x12: {  	s1 =	sld [smem:$0x3F97];
	s0 =	simm.s32 @p0 $0x1  }
0x13: {  	[smem:$0x3FB2] =	sst s0;
	s0 =	simm.s32 @!p1 $0x0  }
0x14: {  	s2 =	sld [smem:$0x3F96];
	s0 =	simm.s32 @p1 $0x1  }
0x15: {  	[smem:$0x3FB3] =	sst s0;
	s0 =	simm.s32 @!p2 $0x0  }
0x16: {  	s3 =	sld [smem:$0x3FDB];
	s0 =	simm.s32 @p2 $0x1  }
0x17: {  	s4 =	simm.s32 $0x1BF5;
	[smem:$0x3FB5] =	sst s0  }
0x18: {  	s0 =	sld [smem:$0x3F98];
	_ =	swait.ge [sflag:s4], $0x0  }
0x19: {  	s7 =	sld [smem:$0x3F99]  }
0x1a: {  	s8 =	sadd.s32 $0xFFFFE003, lr  }
0x1b: {  	s9 =	sadd.s32 $0xFFFFFEF7, lr;
	s5 =	simm.s32 $0xFFFFFFFF;
	p2 =	slt.u32 s8, $0xFFFFF086  }
0x1c: {  	p1 =	slt.u32 s9, $0xF7A;
	s5 =	simm.s32 @!p2 $0x0  }
0x1d: {  	s5 =	simm.s32 @p1 $0x1;
	p0 =	seq.s32 s7, s2  }
0x1e: {  	s7 =	smul.u32 @!p0 $0xF7A, s2;
	p2 =	seq.s32 @!p0 s5, $0x0  }
0x1f: {  	s9 =	smul.u32 $0xF7A, s1;
	s8 =	simm.s32 @!p0 $0x1BF5;
	p2 =	por !p2, p0  }
0x20: {  	[sflag:s8] =	ssyncset.s32 @!p0 $0xFFFFF086;
	s6 =	sadd.s32 @!p0 s3, s7;
	s7 =	simm.s32 @!p0 $0x108  }
0x21: {  	s3 =	sadd.s32 s3, s9;
	s6 =	sadd.s32 @!p0 $0x88, s6;
	s7 =	simm.s32 @p2 $0x1082  }
0x22: {  	[simem:s7], [sflag:s8] =	dma.local @!p0 [hbm:s6], $0xF7A  }
0x23: {  	s9 =	sor.u32 $0xD0000000, s2;
	s6 =	simm.s32 $0x108;
	_ =	swait.ge @!p0 [sflag:s8], $0x0  }
0x24: {  	s3 =	sadd.s32 $0x88, s3;
	s6 =	simm.s32 @!p1 $0x1082;
	[sflag:s4] =	ssyncset.s32 $0xFFFFF086  }
0x25: {  	[simem:s6], [sflag:s4] =	dma.local [hbm:s3], $0xF7A  }
0x26: {  	[smem:$0x3F99] =	sst s1;
	(tag) =	ssettag s2;
	_ =	strace s9  }
0x27: {  	s1 =	sld [smem:$0x3FA9]  }
0x28: {  	s2 =	sld [smem:$0x3FAA]  }
0x29: {  	s4 =	sld [smem:$0x3FAC]  }
0x2a: {  	p0 =	seq.s32 s5, $0x0;
	s5 =	sld [smem:$0x3FAD]  }
0x2b: {  	s6 =	sld [smem:$0x3FAE]  }
0x2c: {  	s7 =	sld [smem:$0x3FAF]  }
0x2d: {  	s3 =	simm.s32 $0x108;
	s8 =	sld [smem:$0x3FB0]  }
0x2e: {  	s3 =	simm.s32 @!p0 $0x1082;
	s9 =	sld [smem:$0x3FB1]  }
0x2f: {  	lr =	sadd.s32 s0, s3;
	s0 =	sld [smem:$0x3FA8]  }
0x30: {  	s3 =	sld [smem:$0x3FAB]  }
0x31: {  	[smem:$0x3FB4] =	sst s10  }
0x32: {  	s10 =	sld [smem:$0x3FB2];
	_ =	sdelay $0x3  }
0x33: {  	p0 =	seq.s32 s10, $0x1;
	s10 =	sld [smem:$0x3FB4];
	_ =	sdelay $0x3  }
0x34: {  	[smem:$0x3FB4] =	sst s10  }
0x35: {  	s10 =	sld [smem:$0x3FB3];
	_ =	sdelay $0x3  }
0x36: {  	p1 =	seq.s32 s10, $0x1;
	s10 =	sld [smem:$0x3FB4];
	_ =	sdelay $0x3  }
0x37: {  	[smem:$0x3FB4] =	sst s10  }
0x38: {  	s10 =	sld [smem:$0x3FB5]  }
0x39: {  	_ = 	snop;
	(pc) =	sbr.ind lr, $3  }
0x3a: {  	_ = 	snop  }
0x3b: {  	_ = 	snop  }
0x3c: {  	p2 =	seq.s32 s10, $0x1;
	s10 =	sld [smem:$0x3FB4]  }
0x3d: {  	_ =	shalt  }
0x3e: {  	_ =	shalt  }
0x3f: {  	_ =	shalt  }
0x40: {  	_ =	shalt  }
0x41: {  	_ =	shalt  }
0x42: {  	_ =	shalt  }
0x43: {  	_ =	shalt  }
0x44: {  	_ =	shalt  }
0x45: {  	_ =	shalt  }
0x46: {  	_ =	shalt  }
0x47: {  	_ =	shalt  }
0x48: {  	_ =	shalt  }
0x49: {  	_ =	shalt  }
0x4a: {  	_ =	shalt  }
0x4b: {  	_ =	shalt  }
0x4c: {  	_ =	shalt  }
0x4d: {  	_ =	shalt  }
0x4e: {  	_ =	shalt  }
0x4f: {  	_ =	shalt  }
0x50: {  	_ =	shalt  }
0x51: {  	_ =	shalt  }
0x52: {  	_ =	shalt  }
0x53: {  	_ =	shalt  }
0x54: {  	_ =	shalt  }
0x55: {  	_ =	shalt  }
0x56: {  	_ =	shalt  }
0x57: {  	_ =	shalt  }
0x58: {  	_ =	shalt  }
0x59: {  	_ =	shalt  }
0x5a: {  	_ =	shalt  }
0x5b: {  	_ =	shalt  }
0x5c: {  	_ =	shalt  }
0x5d: {  	_ =	shalt  }
0x5e: {  	_ =	shalt  }
0x5f: {  	_ =	shalt  }
0x60: {  	_ =	shalt  }
0x61: {  	_ =	shalt  }
0x62: {  	_ =	shalt  }
0x63: {  	_ =	shalt  }
0x64: {  	_ =	shalt  }
0x65: {  	_ =	shalt  }
0x66: {  	_ =	shalt  }
0x67: {  	_ =	shalt  }
0x68: {  	_ =	shalt  }
0x69: {  	_ =	shalt  }
0x6a: {  	_ =	shalt  }
0x6b: {  	_ =	shalt  }
0x6c: {  	_ =	shalt  }
0x6d: {  	_ =	shalt  }
0x6e: {  	_ =	shalt  }
0x6f: {  	_ =	shalt  }
0x70: {  	_ =	shalt  }
0x71: {  	_ =	shalt  }
0x72: {  	_ =	shalt  }
0x73: {  	_ =	shalt  }
0x74: {  	_ =	shalt  }
0x75: {  	_ =	shalt  }
0x76: {  	_ =	shalt  }
0x77: {  	_ =	shalt  }
0x78: {  	_ =	shalt  }
0x79: {  	_ =	shalt  }
0x7a: {  	_ =	shalt  }
0x7b: {  	_ =	shalt  }
0x7c: {  	_ =	shalt  }
0x7d: {  	_ =	shalt  }
0x7e: {  	_ =	shalt  }
0x7f: {  	_ =	shalt  }
0x80: {  	_ =	shalt  }
0x81: {  	_ =	shalt  }
0x82: {  	_ =	shalt  }
0x83: {  	_ =	shalt  }
0x84: {  	_ =	shalt  }
0x85: {  	_ =	shalt  }
0x86: {  	_ =	shalt  }
0x87: {  	_ =	shalt  }
.Lfunc_end0:
.L_simem_size_0:
called_computation.1_lowered:
.L_overlay_start_0:
0x88: {  	s2 =	sld [smem:$0x3FD9]  }
0x89: {  	s3 =	sld [smem:$0x3FFE];
	_ =	sdelay $0x1  }
0x8a: {  	s1 =	srdreg.scid  }
0x8b: {  	s0 =	sand.u32 $0x1, s1  }
0x8c: {  	s16 =	sshll.u32 s0, $0xA;
	s2 =	sadd.s32 s3, s2  }
0x8d: {  	s2 =	sadd.s32 s2, s16  }
0x8e: {  	[smem:$0x3FC0] =	sst s2  }
0x8f: {  	_ = 	snop  }
0x90: {  	(tm) =	ssettm $0x1  }
0x91: {  	s17 =	sld [smem:$0x3FFB];
	_ =	sdelay $0x3  }
0x92: {  	_ =	strace s17  }
0x93: {  	s2 =	sld [smem:$0x3FFC];
	_ =	sdelay $0x3  }
0x94: {  	_ =	strace s2  }
0x95: {  	s2 =	sld [smem:$0x3FFD];
	_ =	sdelay $0x3  }
0x96: {  	_ =	strace s2  }
0x97: {  	_ =	strace $0x8FFFFFFF  }
0x98: {  	s18 =	sld [smem:$0x3FDB];
	_ =	sdelay $0x1  }
0x99: {  	s19 =	simm.s32 $_scs_section_size  }
0x9a: {  	s4 =	simm.s32 $_size__tile_overlayer_lowered;
	s5 =	simm.s32 $_tile_overlayer_lowered  }
0x9b: {  	s22 =	simm.s32 $0x1BFF;
	s21 =	sshll.u32 s5, $0x1;
	s2 =	sadd.s32 s19, s18  }
0x9c: {  	s6 =	simm.s32 $0x0;
	s20 =	sshll.u32 s4, $0x1;
	s4 =	sadd.s32 s21, s2  }
0x9d: {  	[timem:s6], [sflag:s22] =	dma.local [hbm:s4], s20  }
0x9e: {  	_ =	swait.ge [sflag:s22], s20  }
0x9f: {  	s3 =	ssub.s32 $0x0, s20;
	[sflag:s22] =	ssyncset.done $0x0  }
0xa0: {  	[sflag:s22] =	ssyncadd.s32 s3;
	_ =	sdelay $0x1  }
0xa1: {  	s23 =	simm.s32 $0x1B8B  }
0xa2: {  	_ =	swait.ge [sflag:s23], $0x1  }
0xa3: {  	[sflag:s23] =	ssyncset.done $0x0  }
0xa4: {  	s25 =	simm.s32 $0x1B8E;
	s24 =	sld [smem:$0x3FFE];
	[sflag:s23] =	ssyncadd.s32 $0xFFFFFFFF  }
0xa5: {  	s26 =	simm.s32 $execute0_lowered;
	[smem:$0x3FD2] =	sst s25  }
0xa6: {  	s4 =	sshll.u32 s26, $0x1;
	_ =	strace $0x80000049;
	[dreg:$0x1] =	wrdreg $0xFFFFFFFF  }
0xa7: {  	s28 =	simm.s32 $_size_execute0_lowered;
	s2 =	sadd.s32 s2, s4;
	[dreg:$0x0] =	wrdreg $0x0  }
0xa8: {  	s4 =	sshll.u32 s28, $0x1;
	[dreg:$0x2] =	wrdreg s2  }
0xa9: {  	[dreg:$0x3] =	wrdreg s4  }
0xaa: {  	[dreg:$0x4] =	wrdreg $0xC0  }
0xab: {  	_ =	task [dreg:s6], $0x5FFFF  }
0xac: {  	[dreg:$0x1] =	wrdreg $0xFFFFFFFF  }
0xad: {  	[dreg:$0x0] =	wrdreg $0x60  }
0xae: {  	[dreg:$0x2] =	wrdreg s24  }
0xaf: {  	[dreg:$0x3] =	wrdreg $0x90000  }
0xb0: {  	[dreg:$0x4] =	wrdreg $0x9  }
0xb1: {  	_ =	task.clear_ibuf [dreg:s6], $0x5FFFF;
	_ =	strace $0x90000049  }
0xb2: {  	s29 =	simm.s32 $0x9;
	_ =	strace $0x8000004B  }
0xb3: {  	_ =	swait.ge [sflag:s29], $0x1  }
0xb4: {  	[sflag:s29] =	ssyncadd.s32 $0xFFFFFFFF  }
0xb5: {  	_ =	strace $0x9000004B  }
0xb6: {  	_ =	sfence  }
0xb7: {  	s30 =	sld [smem:$0x0];
	_ =	sdelay $0x2  }
0xb8: {  	s31 =	sshll.u32 s1, $0xD;
	s1 =	sshrl.u32 s1, $0x2  }
0xb9: {  	s3 =	sand.u32 $0x4000, s31;
	s1 =	sadd.s32 s1, s30  }
0xba: {  	s0 =	sor.u32 s3, s0;
	s1 =	sshll.u32 s1, $0x11  }
0xbb: {  	s0 =	sor.u32 s1, s0  }
0xbc: {  	s0 =	sadd.s32 $0x8F2B, s0  }
0xbd: {  	[sflag:s0] =	ssyncadd.remote.s32 $0x1  }
0xbe: {  	_ =	sfence.sel $0xFFFF  }
0xbf: {  	[dreg:$0x0] =	wrdreg $0xFFFFFFFF;
	(pc) =	sbr.abs _section_cstart, $3  }
0xc0: {  	[dreg:$0x1] =	wrdreg $0xFFFFFFFF  }
0xc1: {  	_ =	task.clear_ibuf [dreg:s6], $0x2FFFF;
	_ =	strace $0x9FFFFFFF  }
0xc2: {  	(tm) =	ssettm $0x7FFFFFFF  }
0xc3: {  	_ =	shalt  }
tec
execute0_lowered:
.L_overlay_start_1:
0x0: {  	(tag) =	ssettag $0x1  }
0x1: {  	s4 =	rddreg [dreg:$0x0]  }
0x2: {  	s2 =	rddreg [dreg:$0x1]  }
0x3: {  	s0 =	rddreg [dreg:$0x2];
	s1 =	stileid.u32  }
0x4: {  	s6 =	srdreg.scid;
	s3 =	simm.s32 $0x0;
	s5 =	smul.u32 $0x500, s1  }
0x5: {  	s13 =	simm.s32 $0x80;
	s14 =	simm.s32 $0x5000;
	s16 =	smul.u32 $0x2800, s1  }
0x6: {  	s15 =	simm.s32 $0x1;
	s6 =	sand.u32 $0x1, s6;
	s8 =	smul.u32 $0x50000, s1  }
0x7: {  	[smem:$0x7FF] =	sst s3;
	s31 =	sshll.u32 s1, $0x6;
	s7 =	smul.u32 $0x28000, s6  }
0x8: {  	_ =	strace $0x8000004A;
	s6 =	ssub.s32 $0x2, s6;
	s9 =	sadd.s32 s5, s4  }
0x9: {  	s28 =	sadd.s32 s16, s4;
	s29 =	sshrl.u32 s6, $0x1;
	s30 =	sshrl.u32 s8, $0x2  }
0xa: {  	s5 =	sor.u32 $0x1C02, s31;
	s10 =	sadd.s32 s7, s4;
	s11 =	ssub.s32 s6, s29  }
0xb: {  	s12 =	sadd.s32 s30, s2;
	s4 =	sadd.s32 $0x5C200, s28;
	s6 =	sadd.s32 $0x2200, s9  }
0xc: {  	s7 =	sadd.s32 $0x7200, s9;
	s8 =	sadd.s32 $0xC200, s10;
	s17 =	sadd.s32 $0x84200, s10  }
0xd: {  	s9 =	smax.u32 s11, $0x1;
	s10 =	sshrl.u32 s12, $0x3;
	s11 =	simm.s32 $0x2  }
0xe: {  	s12 =	simm.s32 $0x2800;
	s16 =	sadd.s32 s16, s17;
	s17 =	simm.s32 $0x0  }
.LBB2_1:
0xf: {  	[spmem:s10], [sflag:s5] =	dma.local [hbm:s4], $0x2800  }
0x10: {  	_ =	swait.ge [sflag:s11], $0x2800  }
0x11: {  	[sflag:s11] =	ssyncset.done $0x0  }
0x12: {  	[sflag:s11] =	ssyncadd.s32 $0xFFFFD800  }
0x13: {  	[tilespmem:s3], [sflag:$0x2] =	stream.linear.gather [hbm4b:s6+s3], $0x2800, $0x38;
	[tilespmem:$0x1D000] =	vst v63  }
0x14: {  	_ =	swait.ge [sflag:s11], $0x2800  }
0x15: {  	[sflag:s11] =	ssyncset.done $0x0  }
0x16: {  	[sflag:s11] =	ssyncadd.s32 $0xFFFFD800  }
0x17: {  	[tilespmem:s12], [sflag:$0x2] =	stream.linear.gather [hbm4b:s7+s3], $0x2800, $0x38;
	[tilespmem:$0x1D000] =	vst v63  }
0x18: {  	_ =	swait.ge [sflag:s11], $0x2800  }
0x19: {  	[sflag:s11] =	ssyncset.done $0x0  }
0x1a: {  	[sflag:s11] =	ssyncadd.s32 $0xFFFFD800  }
0x1b: {  	s18 =	simm.s32 $0x0;
	[bflag:$0x0] =	sbarrier.arrive $0xFFFF  }
0x1c: {  	[tilespmem:s14], [sflag:$0x1] =	stream.indirect.gather [hbm4b:s8+s13], $0x80, s18, s13, $0xb8;
	[tilespmem:$0x1D000] =	vst v63  }
0x1d: {  	_ =	swait.ge [sflag:s15], $0x4000  }
0x1e: {  	[sflag:s15] =	ssyncset.done $0x0  }
0x1f: {  	s31 =	simm.s32 $0x2800;
	[sflag:s15] =	ssyncadd.s32 $0xFFFFC000  }
0x20: {  	[spmem:s2] =	stream.indirect.scatter.add.f32 [tilespmem:s14], [sflag:$0x2], $0x80, s31, s13, $0xb8;
	[tilespmem:$0x1D000] =	vst v63  }
0x21: {  	_ =	swait.ge [sflag:s11], $0x4000  }
0x22: {  	s19 =	simm.s32 $0x400;
	s18 =	simm.s32 $0x200;
	[sflag:s11] =	ssyncset.done $0x0  }
.LBB2_2:
0x23: {  	s20 =	sshra.s32 s18, $0x2  }
0x24: {  	[sflag:s11] =	ssyncadd.s32 $0xFFFFC000;
	s18 =	smov.u32 s19;
	s21 =	sadd.s32 $0x200, s19  }
0x25: {  	[tilespmem:s14], [sflag:$0x1] =	stream.indirect.gather [hbm4b:s8+s13], $0x80, s20, s13, $0xb8;
	[tilespmem:$0x1D000] =	vst v63  }
0x26: {  	p0 =	sne.s32 s19, $0x9E00;
	_ =	swait.ge [sflag:s15], $0x4000  }
.Ltmp0:
0x27: {  	[sflag:s15] =	ssyncset.done $0x0;
	(pc) =	sbr.rel @p0 .LBB2_2-.Ltmp0, $4  }
0x28: {  	s19 =	sadd.s32 $0x2800, s20;
	[sflag:s15] =	ssyncadd.s32 $0xFFFFC000  }
0x29: {  	[spmem:s2] =	stream.indirect.scatter.add.f32 [tilespmem:s14], [sflag:$0x2], $0x80, s19, s13, $0xb8;
	[tilespmem:$0x1D000] =	vst v63  }
0x2a: {  	_ =	swait.ge [sflag:s11], $0x4000  }
0x2b: {  	s19 =	smov.u32 s21;
	[sflag:s11] =	ssyncset.done $0x0  }
0x2c: {  	s18 =	sshra.s32 s18, $0x2;
	[sflag:s11] =	ssyncadd.s32 $0xFFFFC000  }
0x2d: {  	[tilespmem:s14], [sflag:$0x1] =	stream.indirect.gather [hbm4b:s8+s13], $0x80, s18, s13, $0xb8;
	[tilespmem:$0x1D000] =	vst v63  }
0x2e: {  	_ =	swait.ge [sflag:s15], $0x4000  }
0x2f: {  	[sflag:s15] =	ssyncset.done $0x0  }
0x30: {  	s18 =	sadd.s32 $0x2800, s18;
	[sflag:s15] =	ssyncadd.s32 $0xFFFFC000  }
0x31: {  	[spmem:s2] =	stream.indirect.scatter.add.f32 [tilespmem:s14], [sflag:$0x2], $0x80, s18, s13, $0xb8;
	[tilespmem:$0x1D000] =	vst v63  }
0x32: {  	_ =	swait.ge [sflag:s11], $0x4000  }
0x33: {  	s17 =	sadd.s32 $0x1, s17;
	[sflag:s11] =	ssyncset.done $0x0  }
0x34: {  	p0 =	sne.s32 s17, s9;
	[sflag:s11] =	ssyncadd.s32 $0xFFFFC000  }
.Ltmp1:
0x35: {  	[bflag:$0x0] =	sbarrier.arrive $0xFFFF;
	(pc) =	sbr.rel @p0 .LBB2_1-.Ltmp1, $4  }
0x36: {  	[hbm:s16], [sflag:s5] =	dma.local [spmem:s10], $0x2800  }
0x37: {  	_ =	swait.ge [sflag:s11], $0x2800  }
0x38: {  	[sflag:s11] =	ssyncset.done $0x0  }
0x39: {  	[sflag:s11] =	ssyncadd.s32 $0xFFFFD800  }
0x3a: {  	_ =	sfence.sel $0x180000  }
0x3b: {  	[bflag:$0x0] =	sbarrier.arrive $0xFFFF  }
0x3c: {  	p0 =	sne.s32 s1, $0x0;
	_ =	strace $0x9000004A  }
0x3d: {  	s0 =	sadd.s32 @!p0 $0x100000, s0;
	[bflag:$0x2] =	sbarrier.arrive $0xFFFF  }
0x3e: {  	[sflag:s0] =	ssyncadd.tile.s32 @!p0 $0x1;
	_ =	shalt  }
.Lfunc_end2:
_tile_overlayer_lowered:
.L_overlay_start_2:
0x3f: {  	(tag) =	ssettag $0x2  }
0x40: {  	s0 =	rddreg [dreg:$0x0];
	s2 =	stileid.u32  }
0x41: {  	s1 =	rddreg [dreg:$0x1];
	p0 =	sne.s32 s2, $0x0  }
0x42: {  	s3 =	rddreg [dreg:$0x2];
	[bflag:$0x3] =	sbarrier.arrive $0xFFFF;
	s2 =	simm.s32 @!p0 $0x1C02  }
0x43: {  	[timem:s3], [sflag:s2] =	dma.local @!p0 [hbm:s0], s1  }
0x44: {  	s0 =	simm.s32 @!p0 $0x2  }
0x45: {  	_ =	swait.ge @!p0 [sflag:s0], s1  }
0x46: {  	s1 =	ssub.s32 @!p0 $0x0, s1;
	[sflag:s0] =	ssyncset.done @!p0 $0x0  }
0x47: {  	[sflag:s0] =	ssyncadd.s32 @!p0 s1  }
0x48: {  	[bflag:$0x3] =	sbarrier.arrive $0xFFFF  }
0x49: {  	_ =	shalt  }

// kernel: kernel.14.cloned.1.call-start
scs
__scs_entry_jumppad:
0x0: {  	(pc) =	sbr.rel $0x88, $3  }
0x1: {  	(tag) =	ssettag $0x0;
	lr =	simm.s32 $0x1  }
0x2: {  	[smem:$0x3F99] =	sst lr;
	_ =	strace $0xD0000000  }
0x3: {  	_ = 	snop  }
0x4: {  	_ = 	snop  }
0x5: {  	_ = 	snop  }
0x6: {  	_ = 	snop  }
0x7: {  	_ = 	snop  }
__scs_overlays_trampoline_lowered:
0x8: {  	[smem:$0x3FA8] =	sst s0  }
0x9: {  	[smem:$0x3FA9] =	sst s1  }
0xa: {  	[smem:$0x3FAA] =	sst s2  }
0xb: {  	[smem:$0x3FAB] =	sst s3  }
0xc: {  	[smem:$0x3FAC] =	sst s4  }
0xd: {  	[smem:$0x3FAD] =	sst s5  }
0xe: {  	[smem:$0x3FAE] =	sst s6  }
0xf: {  	[smem:$0x3FAF] =	sst s7  }
0x10: {  	[smem:$0x3FB0] =	sst s8  }
0x11: {  	[smem:$0x3FB1] =	sst s9;
	s0 =	simm.s32 @!p0 $0x0  }
0x12: {  	s1 =	sld [smem:$0x3F97];
	s0 =	simm.s32 @p0 $0x1  }
0x13: {  	[smem:$0x3FB2] =	sst s0;
	s0 =	simm.s32 @!p1 $0x0  }
0x14: {  	s2 =	sld [smem:$0x3F96];
	s0 =	simm.s32 @p1 $0x1  }
0x15: {  	[smem:$0x3FB3] =	sst s0;
	s0 =	simm.s32 @!p2 $0x0  }
0x16: {  	s3 =	sld [smem:$0x3FDB];
	s0 =	simm.s32 @p2 $0x1  }
0x17: {  	s4 =	simm.s32 $0x1BF5;
	[smem:$0x3FB5] =	sst s0  }
0x18: {  	s0 =	sld [smem:$0x3F98];
	_ =	swait.ge [sflag:s4], $0x0  }
0x19: {  	s7 =	sld [smem:$0x3F99]  }
0x1a: {  	s8 =	sadd.s32 $0xFFFFE003, lr  }
0x1b: {  	s9 =	sadd.s32 $0xFFFFFEF7, lr;
	s5 =	simm.s32 $0xFFFFFFFF;
	p2 =	slt.u32 s8, $0xFFFFF086  }
0x1c: {  	p1 =	slt.u32 s9, $0xF7A;
	s5 =	simm.s32 @!p2 $0x0  }
0x1d: {  	s5 =	simm.s32 @p1 $0x1;
	p0 =	seq.s32 s7, s2  }
0x1e: {  	s7 =	smul.u32 @!p0 $0xF7A, s2;
	p2 =	seq.s32 @!p0 s5, $0x0  }
0x1f: {  	s9 =	smul.u32 $0xF7A, s1;
	s8 =	simm.s32 @!p0 $0x1BF5;
	p2 =	por !p2, p0  }
0x20: {  	[sflag:s8] =	ssyncset.s32 @!p0 $0xFFFFF086;
	s6 =	sadd.s32 @!p0 s3, s7;
	s7 =	simm.s32 @!p0 $0x108  }
0x21: {  	s3 =	sadd.s32 s3, s9;
	s6 =	sadd.s32 @!p0 $0x88, s6;
	s7 =	simm.s32 @p2 $0x1082  }
0x22: {  	[simem:s7], [sflag:s8] =	dma.local @!p0 [hbm:s6], $0xF7A  }
0x23: {  	s9 =	sor.u32 $0xD0000000, s2;
	s6 =	simm.s32 $0x108;
	_ =	swait.ge @!p0 [sflag:s8], $0x0  }
0x24: {  	s3 =	sadd.s32 $0x88, s3;
	s6 =	simm.s32 @!p1 $0x1082;
	[sflag:s4] =	ssyncset.s32 $0xFFFFF086  }
0x25: {  	[simem:s6], [sflag:s4] =	dma.local [hbm:s3], $0xF7A  }
0x26: {  	[smem:$0x3F99] =	sst s1;
	(tag) =	ssettag s2;
	_ =	strace s9  }
0x27: {  	s1 =	sld [smem:$0x3FA9]  }
0x28: {  	s2 =	sld [smem:$0x3FAA]  }
0x29: {  	s4 =	sld [smem:$0x3FAC]  }
0x2a: {  	p0 =	seq.s32 s5, $0x0;
	s5 =	sld [smem:$0x3FAD]  }
0x2b: {  	s6 =	sld [smem:$0x3FAE]  }
0x2c: {  	s7 =	sld [smem:$0x3FAF]  }
0x2d: {  	s3 =	simm.s32 $0x108;
	s8 =	sld [smem:$0x3FB0]  }
0x2e: {  	s3 =	simm.s32 @!p0 $0x1082;
	s9 =	sld [smem:$0x3FB1]  }
0x2f: {  	lr =	sadd.s32 s0, s3;
	s0 =	sld [smem:$0x3FA8]  }
0x30: {  	s3 =	sld [smem:$0x3FAB]  }
0x31: {  	[smem:$0x3FB4] =	sst s10  }
0x32: {  	s10 =	sld [smem:$0x3FB2];
	_ =	sdelay $0x3  }
0x33: {  	p0 =	seq.s32 s10, $0x1;
	s10 =	sld [smem:$0x3FB4];
	_ =	sdelay $0x3  }
0x34: {  	[smem:$0x3FB4] =	sst s10  }
0x35: {  	s10 =	sld [smem:$0x3FB3];
	_ =	sdelay $0x3  }
0x36: {  	p1 =	seq.s32 s10, $0x1;
	s10 =	sld [smem:$0x3FB4];
	_ =	sdelay $0x3  }
0x37: {  	[smem:$0x3FB4] =	sst s10  }
0x38: {  	s10 =	sld [smem:$0x3FB5]  }
0x39: {  	_ = 	snop;
	(pc) =	sbr.ind lr, $3  }
0x3a: {  	_ = 	snop  }
0x3b: {  	_ = 	snop  }
0x3c: {  	p2 =	seq.s32 s10, $0x1;
	s10 =	sld [smem:$0x3FB4]  }
0x3d: {  	_ =	shalt  }
0x3e: {  	_ =	shalt  }
0x3f: {  	_ =	shalt  }
0x40: {  	_ =	shalt  }
0x41: {  	_ =	shalt  }
0x42: {  	_ =	shalt  }
0x43: {  	_ =	shalt  }
0x44: {  	_ =	shalt  }
0x45: {  	_ =	shalt  }
0x46: {  	_ =	shalt  }
0x47: {  	_ =	shalt  }
0x48: {  	_ =	shalt  }
0x49: {  	_ =	shalt  }
0x4a: {  	_ =	shalt  }
0x4b: {  	_ =	shalt  }
0x4c: {  	_ =	shalt  }
0x4d: {  	_ =	shalt  }
0x4e: {  	_ =	shalt  }
0x4f: {  	_ =	shalt  }
0x50: {  	_ =	shalt  }
0x51: {  	_ =	shalt  }
0x52: {  	_ =	shalt  }
0x53: {  	_ =	shalt  }
0x54: {  	_ =	shalt  }
0x55: {  	_ =	shalt  }
0x56: {  	_ =	shalt  }
0x57: {  	_ =	shalt  }
0x58: {  	_ =	shalt  }
0x59: {  	_ =	shalt  }
0x5a: {  	_ =	shalt  }
0x5b: {  	_ =	shalt  }
0x5c: {  	_ =	shalt  }
0x5d: {  	_ =	shalt  }
0x5e: {  	_ =	shalt  }
0x5f: {  	_ =	shalt  }
0x60: {  	_ =	shalt  }
0x61: {  	_ =	shalt  }
0x62: {  	_ =	shalt  }
0x63: {  	_ =	shalt  }
0x64: {  	_ =	shalt  }
0x65: {  	_ =	shalt  }
0x66: {  	_ =	shalt  }
0x67: {  	_ =	shalt  }
0x68: {  	_ =	shalt  }
0x69: {  	_ =	shalt  }
0x6a: {  	_ =	shalt  }
0x6b: {  	_ =	shalt  }
0x6c: {  	_ =	shalt  }
0x6d: {  	_ =	shalt  }
0x6e: {  	_ =	shalt  }
0x6f: {  	_ =	shalt  }
0x70: {  	_ =	shalt  }
0x71: {  	_ =	shalt  }
0x72: {  	_ =	shalt  }
0x73: {  	_ =	shalt  }
0x74: {  	_ =	shalt  }
0x75: {  	_ =	shalt  }
0x76: {  	_ =	shalt  }
0x77: {  	_ =	shalt  }
0x78: {  	_ =	shalt  }
0x79: {  	_ =	shalt  }
0x7a: {  	_ =	shalt  }
0x7b: {  	_ =	shalt  }
0x7c: {  	_ =	shalt  }
0x7d: {  	_ =	shalt  }
0x7e: {  	_ =	shalt  }
0x7f: {  	_ =	shalt  }
0x80: {  	_ =	shalt  }
0x81: {  	_ =	shalt  }
0x82: {  	_ =	shalt  }
0x83: {  	_ =	shalt  }
0x84: {  	_ =	shalt  }
0x85: {  	_ =	shalt  }
0x86: {  	_ =	shalt  }
0x87: {  	_ =	shalt  }
.Lfunc_end0:
.L_simem_size_0:
called_computation.2_lowered:
.L_overlay_start_0:
0x88: {  	s2 =	sld [smem:$0x3FD9]  }
0x89: {  	s3 =	sld [smem:$0x3FFE];
	_ =	sdelay $0x1  }
0x8a: {  	s1 =	srdreg.scid  }
0x8b: {  	s0 =	sand.u32 $0x1, s1  }
0x8c: {  	s16 =	sshll.u32 s0, $0xA;
	s2 =	sadd.s32 s3, s2  }
0x8d: {  	s2 =	sadd.s32 s2, s16  }
0x8e: {  	[smem:$0x3FC0] =	sst s2  }
0x8f: {  	_ = 	snop  }
0x90: {  	(tm) =	ssettm $0x1  }
0x91: {  	s17 =	sld [smem:$0x3FFB];
	_ =	sdelay $0x3  }
0x92: {  	_ =	strace s17  }
0x93: {  	s2 =	sld [smem:$0x3FFC];
	_ =	sdelay $0x3  }
0x94: {  	_ =	strace s2  }
0x95: {  	s2 =	sld [smem:$0x3FFD];
	_ =	sdelay $0x3  }
0x96: {  	_ =	strace s2  }
0x97: {  	_ =	strace $0x8FFFFFFF  }
0x98: {  	s18 =	sld [smem:$0x3FDB];
	_ =	sdelay $0x1  }
0x99: {  	s19 =	simm.s32 $_scs_section_size  }
0x9a: {  	s4 =	simm.s32 $_size__tile_overlayer_lowered;
	s5 =	simm.s32 $_tile_overlayer_lowered  }
0x9b: {  	s22 =	simm.s32 $0x1BFF;
	s21 =	sshll.u32 s5, $0x1;
	s2 =	sadd.s32 s19, s18  }
0x9c: {  	s6 =	simm.s32 $0x0;
	s20 =	sshll.u32 s4, $0x1;
	s4 =	sadd.s32 s21, s2  }
0x9d: {  	[timem:s6], [sflag:s22] =	dma.local [hbm:s4], s20  }
0x9e: {  	_ =	swait.ge [sflag:s22], s20  }
0x9f: {  	s3 =	ssub.s32 $0x0, s20;
	[sflag:s22] =	ssyncset.done $0x0  }
0xa0: {  	[sflag:s22] =	ssyncadd.s32 s3;
	_ =	sdelay $0x1  }
0xa1: {  	s23 =	simm.s32 $0x1B8B  }
0xa2: {  	_ =	swait.ge [sflag:s23], $0x1  }
0xa3: {  	[sflag:s23] =	ssyncset.done $0x0  }
0xa4: {  	s25 =	simm.s32 $0x1B8E;
	s24 =	sld [smem:$0x3FFE];
	[sflag:s23] =	ssyncadd.s32 $0xFFFFFFFF  }
0xa5: {  	s26 =	simm.s32 $execute0_lowered;
	[smem:$0x3FD2] =	sst s25  }
0xa6: {  	s4 =	sshll.u32 s26, $0x1;
	_ =	strace $0x8000004C;
	[dreg:$0x1] =	wrdreg $0xFFFFFFFF  }
0xa7: {  	s28 =	simm.s32 $_size_execute0_lowered;
	s2 =	sadd.s32 s2, s4;
	[dreg:$0x0] =	wrdreg $0x0  }
0xa8: {  	s4 =	sshll.u32 s28, $0x1;
	[dreg:$0x2] =	wrdreg s2  }
0xa9: {  	[dreg:$0x3] =	wrdreg s4  }
0xaa: {  	[dreg:$0x4] =	wrdreg $0xC0  }
0xab: {  	_ =	task [dreg:s6], $0x5FFFF  }
0xac: {  	[dreg:$0x1] =	wrdreg $0xFFFFFFFF  }
0xad: {  	[dreg:$0x0] =	wrdreg $0x60  }
0xae: {  	[dreg:$0x2] =	wrdreg s24  }
0xaf: {  	[dreg:$0x3] =	wrdreg $0x90000  }
0xb0: {  	[dreg:$0x4] =	wrdreg $0x9  }
0xb1: {  	_ =	task.clear_ibuf [dreg:s6], $0x5FFFF;
	_ =	strace $0x9000004C  }
0xb2: {  	s29 =	simm.s32 $0x9;
	_ =	strace $0x8000004E  }
0xb3: {  	_ =	swait.ge [sflag:s29], $0x1  }
0xb4: {  	[sflag:s29] =	ssyncadd.s32 $0xFFFFFFFF  }
0xb5: {  	_ =	strace $0x9000004E  }
0xb6: {  	_ =	sfence  }
0xb7: {  	s30 =	sld [smem:$0x0];
	_ =	sdelay $0x2  }
0xb8: {  	s31 =	sshll.u32 s1, $0xD;
	s1 =	sshrl.u32 s1, $0x2  }
0xb9: {  	s3 =	sand.u32 $0x4000, s31;
	s1 =	sadd.s32 s1, s30  }
0xba: {  	s0 =	sor.u32 s3, s0;
	s1 =	sshll.u32 s1, $0x11  }
0xbb: {  	s0 =	sor.u32 s1, s0  }
0xbc: {  	s0 =	sadd.s32 $0x8F2B, s0  }
0xbd: {  	[sflag:s0] =	ssyncadd.remote.s32 $0x1  }
0xbe: {  	_ =	sfence.sel $0xFFFF  }
0xbf: {  	[dreg:$0x0] =	wrdreg $0xFFFFFFFF;
	(pc) =	sbr.abs _section_cstart, $3  }
0xc0: {  	[dreg:$0x1] =	wrdreg $0xFFFFFFFF  }
0xc1: {  	_ =	task.clear_ibuf [dreg:s6], $0x2FFFF;
	_ =	strace $0x9FFFFFFF  }
0xc2: {  	(tm) =	ssettm $0x7FFFFFFF  }
0xc3: {  	_ =	shalt  }
tec
execute0_lowered:
.L_overlay_start_1:
0x0: {  	(tag) =	ssettag $0x1  }
0x1: {  	s4 =	rddreg [dreg:$0x0]  }
0x2: {  	s2 =	rddreg [dreg:$0x1]  }
0x3: {  	s0 =	rddreg [dreg:$0x2];
	s1 =	stileid.u32  }
0x4: {  	s6 =	srdreg.scid;
	s3 =	simm.s32 $0x0;
	s5 =	smul.u32 $0x500, s1  }
0x5: {  	s13 =	simm.s32 $0x80;
	s14 =	simm.s32 $0x5000;
	s16 =	smul.u32 $0x2800, s1  }
0x6: {  	s15 =	simm.s32 $0x1;
	s6 =	sand.u32 $0x1, s6;
	s8 =	smul.u32 $0x50000, s1  }
0x7: {  	[smem:$0x7FF] =	sst s3;
	s31 =	sshll.u32 s1, $0x6;
	s7 =	smul.u32 $0x28000, s6  }
0x8: {  	_ =	strace $0x8000004D;
	s6 =	ssub.s32 $0x2, s6;
	s9 =	sadd.s32 s5, s4  }
0x9: {  	s28 =	sadd.s32 s16, s4;
	s29 =	sshrl.u32 s6, $0x1;
	s30 =	sshrl.u32 s8, $0x2  }
0xa: {  	s5 =	sor.u32 $0x1C02, s31;
	s10 =	sadd.s32 s7, s4;
	s11 =	ssub.s32 s6, s29  }
0xb: {  	s12 =	sadd.s32 s30, s2;
	s4 =	sadd.s32 $0x5C200, s28;
	s6 =	sadd.s32 $0x2200, s9  }
0xc: {  	s7 =	sadd.s32 $0x7200, s9;
	s8 =	sadd.s32 $0xC200, s10;
	s17 =	sadd.s32 $0x84200, s10  }
0xd: {  	s9 =	smax.u32 s11, $0x1;
	s10 =	sshrl.u32 s12, $0x3;
	s11 =	simm.s32 $0x2  }
0xe: {  	s12 =	simm.s32 $0x2800;
	s16 =	sadd.s32 s16, s17;
	s17 =	simm.s32 $0x0  }
.LBB2_1:
0xf: {  	[spmem:s10], [sflag:s5] =	dma.local [hbm:s4], $0x2800  }
0x10: {  	_ =	swait.ge [sflag:s11], $0x2800  }
0x11: {  	[sflag:s11] =	ssyncset.done $0x0  }
0x12: {  	[sflag:s11] =	ssyncadd.s32 $0xFFFFD800  }
0x13: {  	[tilespmem:s3], [sflag:$0x2] =	stream.linear.gather [hbm4b:s6+s3], $0x2800, $0x38;
	[tilespmem:$0x1D000] =	vst v63  }
0x14: {  	_ =	swait.ge [sflag:s11], $0x2800  }
0x15: {  	[sflag:s11] =	ssyncset.done $0x0  }
0x16: {  	[sflag:s11] =	ssyncadd.s32 $0xFFFFD800  }
0x17: {  	[tilespmem:s12], [sflag:$0x2] =	stream.linear.gather [hbm4b:s7+s3], $0x2800, $0x38;
	[tilespmem:$0x1D000] =	vst v63  }
0x18: {  	_ =	swait.ge [sflag:s11], $0x2800  }
0x19: {  	[sflag:s11] =	ssyncset.done $0x0  }
0x1a: {  	[sflag:s11] =	ssyncadd.s32 $0xFFFFD800  }
0x1b: {  	s18 =	simm.s32 $0x0;
	[bflag:$0x0] =	sbarrier.arrive $0xFFFF  }
0x1c: {  	[tilespmem:s14], [sflag:$0x1] =	stream.indirect.gather [hbm4b:s8+s13], $0x80, s18, s13, $0xb8;
	[tilespmem:$0x1D000] =	vst v63  }
0x1d: {  	_ =	swait.ge [sflag:s15], $0x4000  }
0x1e: {  	[sflag:s15] =	ssyncset.done $0x0  }
0x1f: {  	s31 =	simm.s32 $0x2800;
	[sflag:s15] =	ssyncadd.s32 $0xFFFFC000  }
0x20: {  	[spmem:s2] =	stream.indirect.scatter.add.f32 [tilespmem:s14], [sflag:$0x2], $0x80, s31, s13, $0xb8;
	[tilespmem:$0x1D000] =	vst v63  }
0x21: {  	_ =	swait.ge [sflag:s11], $0x4000  }
0x22: {  	s19 =	simm.s32 $0x400;
	s18 =	simm.s32 $0x200;
	[sflag:s11] =	ssyncset.done $0x0  }
.LBB2_2:
0x23: {  	s20 =	sshra.s32 s18, $0x2  }
0x24: {  	[sflag:s11] =	ssyncadd.s32 $0xFFFFC000;
	s18 =	smov.u32 s19;
	s21 =	sadd.s32 $0x200, s19  }
0x25: {  	[tilespmem:s14], [sflag:$0x1] =	stream.indirect.gather [hbm4b:s8+s13], $0x80, s20, s13, $0xb8;
	[tilespmem:$0x1D000] =	vst v63  }
0x26: {  	p0 =	sne.s32 s19, $0x9E00;
	_ =	swait.ge [sflag:s15], $0x4000  }
.Ltmp0:
0x27: {  	[sflag:s15] =	ssyncset.done $0x0;
	(pc) =	sbr.rel @p0 .LBB2_2-.Ltmp0, $4  }
0x28: {  	s19 =	sadd.s32 $0x2800, s20;
	[sflag:s15] =	ssyncadd.s32 $0xFFFFC000  }
0x29: {  	[spmem:s2] =	stream.indirect.scatter.add.f32 [tilespmem:s14], [sflag:$0x2], $0x80, s19, s13, $0xb8;
	[tilespmem:$0x1D000] =	vst v63  }
0x2a: {  	_ =	swait.ge [sflag:s11], $0x4000  }
0x2b: {  	s19 =	smov.u32 s21;
	[sflag:s11] =	ssyncset.done $0x0  }
0x2c: {  	s18 =	sshra.s32 s18, $0x2;
	[sflag:s11] =	ssyncadd.s32 $0xFFFFC000  }
0x2d: {  	[tilespmem:s14], [sflag:$0x1] =	stream.indirect.gather [hbm4b:s8+s13], $0x80, s18, s13, $0xb8;
	[tilespmem:$0x1D000] =	vst v63  }
0x2e: {  	_ =	swait.ge [sflag:s15], $0x4000  }
0x2f: {  	[sflag:s15] =	ssyncset.done $0x0  }
0x30: {  	s18 =	sadd.s32 $0x2800, s18;
	[sflag:s15] =	ssyncadd.s32 $0xFFFFC000  }
0x31: {  	[spmem:s2] =	stream.indirect.scatter.add.f32 [tilespmem:s14], [sflag:$0x2], $0x80, s18, s13, $0xb8;
	[tilespmem:$0x1D000] =	vst v63  }
0x32: {  	_ =	swait.ge [sflag:s11], $0x4000  }
0x33: {  	s17 =	sadd.s32 $0x1, s17;
	[sflag:s11] =	ssyncset.done $0x0  }
0x34: {  	p0 =	sne.s32 s17, s9;
	[sflag:s11] =	ssyncadd.s32 $0xFFFFC000  }
.Ltmp1:
0x35: {  	[bflag:$0x0] =	sbarrier.arrive $0xFFFF;
	(pc) =	sbr.rel @p0 .LBB2_1-.Ltmp1, $4  }
0x36: {  	[hbm:s16], [sflag:s5] =	dma.local [spmem:s10], $0x2800  }
0x37: {  	_ =	swait.ge [sflag:s11], $0x2800  }
0x38: {  	[sflag:s11] =	ssyncset.done $0x0  }
0x39: {  	[sflag:s11] =	ssyncadd.s32 $0xFFFFD800  }
0x3a: {  	_ =	sfence.sel $0x180000  }
0x3b: {  	[bflag:$0x0] =	sbarrier.arrive $0xFFFF  }
0x3c: {  	p0 =	sne.s32 s1, $0x0;
	_ =	strace $0x9000004D  }
0x3d: {  	s0 =	sadd.s32 @!p0 $0x100000, s0;
	[bflag:$0x2] =	sbarrier.arrive $0xFFFF  }
0x3e: {  	[sflag:s0] =	ssyncadd.tile.s32 @!p0 $0x1;
	_ =	shalt  }
.Lfunc_end2:
_tile_overlayer_lowered:
.L_overlay_start_2:
0x3f: {  	(tag) =	ssettag $0x2  }
0x40: {  	s0 =	rddreg [dreg:$0x0];
	s2 =	stileid.u32  }
0x41: {  	s1 =	rddreg [dreg:$0x1];
	p0 =	sne.s32 s2, $0x0  }
0x42: {  	s3 =	rddreg [dreg:$0x2];
	[bflag:$0x3] =	sbarrier.arrive $0xFFFF;
	s2 =	simm.s32 @!p0 $0x1C02  }
0x43: {  	[timem:s3], [sflag:s2] =	dma.local @!p0 [hbm:s0], s1  }
0x44: {  	s0 =	simm.s32 @!p0 $0x2  }
0x45: {  	_ =	swait.ge @!p0 [sflag:s0], s1  }
0x46: {  	s1 =	ssub.s32 @!p0 $0x0, s1;
	[sflag:s0] =	ssyncset.done @!p0 $0x0  }
0x47: {  	[sflag:s0] =	ssyncadd.s32 @!p0 s1  }
0x48: {  	[bflag:$0x3] =	sbarrier.arrive $0xFFFF  }
0x49: {  	_ =	shalt  }

// kernel: kernel.8.cloned.1.call-start
scs
__scs_entry_jumppad:
0x0: {  	(pc) =	sbr.rel $0x88, $3  }
0x1: {  	(tag) =	ssettag $0x0;
	lr =	simm.s32 $0x1  }
0x2: {  	[smem:$0x3F99] =	sst lr;
	_ =	strace $0xD0000000  }
0x3: {  	_ = 	snop  }
0x4: {  	_ = 	snop  }
0x5: {  	_ = 	snop  }
0x6: {  	_ = 	snop  }
0x7: {  	_ = 	snop  }
__scs_overlays_trampoline_lowered:
0x8: {  	[smem:$0x3FA8] =	sst s0  }
0x9: {  	[smem:$0x3FA9] =	sst s1  }
0xa: {  	[smem:$0x3FAA] =	sst s2  }
0xb: {  	[smem:$0x3FAB] =	sst s3  }
0xc: {  	[smem:$0x3FAC] =	sst s4  }
0xd: {  	[smem:$0x3FAD] =	sst s5  }
0xe: {  	[smem:$0x3FAE] =	sst s6  }
0xf: {  	[smem:$0x3FAF] =	sst s7  }
0x10: {  	[smem:$0x3FB0] =	sst s8  }
0x11: {  	[smem:$0x3FB1] =	sst s9;
	s0 =	simm.s32 @!p0 $0x0  }
0x12: {  	s1 =	sld [smem:$0x3F97];
	s0 =	simm.s32 @p0 $0x1  }
0x13: {  	[smem:$0x3FB2] =	sst s0;
	s0 =	simm.s32 @!p1 $0x0  }
0x14: {  	s2 =	sld [smem:$0x3F96];
	s0 =	simm.s32 @p1 $0x1  }
0x15: {  	[smem:$0x3FB3] =	sst s0;
	s0 =	simm.s32 @!p2 $0x0  }
0x16: {  	s3 =	sld [smem:$0x3FDB];
	s0 =	simm.s32 @p2 $0x1  }
0x17: {  	s4 =	simm.s32 $0x1BF5;
	[smem:$0x3FB5] =	sst s0  }
0x18: {  	s0 =	sld [smem:$0x3F98];
	_ =	swait.ge [sflag:s4], $0x0  }
0x19: {  	s7 =	sld [smem:$0x3F99]  }
0x1a: {  	s8 =	sadd.s32 $0xFFFFE003, lr  }
0x1b: {  	s9 =	sadd.s32 $0xFFFFFEF7, lr;
	s5 =	simm.s32 $0xFFFFFFFF;
	p2 =	slt.u32 s8, $0xFFFFF086  }
0x1c: {  	p1 =	slt.u32 s9, $0xF7A;
	s5 =	simm.s32 @!p2 $0x0  }
0x1d: {  	s5 =	simm.s32 @p1 $0x1;
	p0 =	seq.s32 s7, s2  }
0x1e: {  	s7 =	smul.u32 @!p0 $0xF7A, s2;
	p2 =	seq.s32 @!p0 s5, $0x0  }
0x1f: {  	s9 =	smul.u32 $0xF7A, s1;
	s8 =	simm.s32 @!p0 $0x1BF5;
	p2 =	por !p2, p0  }
0x20: {  	[sflag:s8] =	ssyncset.s32 @!p0 $0xFFFFF086;
	s6 =	sadd.s32 @!p0 s3, s7;
	s7 =	simm.s32 @!p0 $0x108  }
0x21: {  	s3 =	sadd.s32 s3, s9;
	s6 =	sadd.s32 @!p0 $0x88, s6;
	s7 =	simm.s32 @p2 $0x1082  }
0x22: {  	[simem:s7], [sflag:s8] =	dma.local @!p0 [hbm:s6], $0xF7A  }
0x23: {  	s9 =	sor.u32 $0xD0000000, s2;
	s6 =	simm.s32 $0x108;
	_ =	swait.ge @!p0 [sflag:s8], $0x0  }
0x24: {  	s3 =	sadd.s32 $0x88, s3;
	s6 =	simm.s32 @!p1 $0x1082;
	[sflag:s4] =	ssyncset.s32 $0xFFFFF086  }
0x25: {  	[simem:s6], [sflag:s4] =	dma.local [hbm:s3], $0xF7A  }
0x26: {  	[smem:$0x3F99] =	sst s1;
	(tag) =	ssettag s2;
	_ =	strace s9  }
0x27: {  	s1 =	sld [smem:$0x3FA9]  }
0x28: {  	s2 =	sld [smem:$0x3FAA]  }
0x29: {  	s4 =	sld [smem:$0x3FAC]  }
0x2a: {  	p0 =	seq.s32 s5, $0x0;
	s5 =	sld [smem:$0x3FAD]  }
0x2b: {  	s6 =	sld [smem:$0x3FAE]  }
0x2c: {  	s7 =	sld [smem:$0x3FAF]  }
0x2d: {  	s3 =	simm.s32 $0x108;
	s8 =	sld [smem:$0x3FB0]  }
0x2e: {  	s3 =	simm.s32 @!p0 $0x1082;
	s9 =	sld [smem:$0x3FB1]  }
0x2f: {  	lr =	sadd.s32 s0, s3;
	s0 =	sld [smem:$0x3FA8]  }
0x30: {  	s3 =	sld [smem:$0x3FAB]  }
0x31: {  	[smem:$0x3FB4] =	sst s10  }
0x32: {  	s10 =	sld [smem:$0x3FB2];
	_ =	sdelay $0x3  }
0x33: {  	p0 =	seq.s32 s10, $0x1;
	s10 =	sld [smem:$0x3FB4];
	_ =	sdelay $0x3  }
0x34: {  	[smem:$0x3FB4] =	sst s10  }
0x35: {  	s10 =	sld [smem:$0x3FB3];
	_ =	sdelay $0x3  }
0x36: {  	p1 =	seq.s32 s10, $0x1;
	s10 =	sld [smem:$0x3FB4];
	_ =	sdelay $0x3  }
0x37: {  	[smem:$0x3FB4] =	sst s10  }
0x38: {  	s10 =	sld [smem:$0x3FB5]  }
0x39: {  	_ = 	snop;
	(pc) =	sbr.ind lr, $3  }
0x3a: {  	_ = 	snop  }
0x3b: {  	_ = 	snop  }
0x3c: {  	p2 =	seq.s32 s10, $0x1;
	s10 =	sld [smem:$0x3FB4]  }
0x3d: {  	_ =	shalt  }
0x3e: {  	_ =	shalt  }
0x3f: {  	_ =	shalt  }
0x40: {  	_ =	shalt  }
0x41: {  	_ =	shalt  }
0x42: {  	_ =	shalt  }
0x43: {  	_ =	shalt  }
0x44: {  	_ =	shalt  }
0x45: {  	_ =	shalt  }
0x46: {  	_ =	shalt  }
0x47: {  	_ =	shalt  }
0x48: {  	_ =	shalt  }
0x49: {  	_ =	shalt  }
0x4a: {  	_ =	shalt  }
0x4b: {  	_ =	shalt  }
0x4c: {  	_ =	shalt  }
0x4d: {  	_ =	shalt  }
0x4e: {  	_ =	shalt  }
0x4f: {  	_ =	shalt  }
0x50: {  	_ =	shalt  }
0x51: {  	_ =	shalt  }
0x52: {  	_ =	shalt  }
0x53: {  	_ =	shalt  }
0x54: {  	_ =	shalt  }
0x55: {  	_ =	shalt  }
0x56: {  	_ =	shalt  }
0x57: {  	_ =	shalt  }
0x58: {  	_ =	shalt  }
0x59: {  	_ =	shalt  }
0x5a: {  	_ =	shalt  }
0x5b: {  	_ =	shalt  }
0x5c: {  	_ =	shalt  }
0x5d: {  	_ =	shalt  }
0x5e: {  	_ =	shalt  }
0x5f: {  	_ =	shalt  }
0x60: {  	_ =	shalt  }
0x61: {  	_ =	shalt  }
0x62: {  	_ =	shalt  }
0x63: {  	_ =	shalt  }
0x64: {  	_ =	shalt  }
0x65: {  	_ =	shalt  }
0x66: {  	_ =	shalt  }
0x67: {  	_ =	shalt  }
0x68: {  	_ =	shalt  }
0x69: {  	_ =	shalt  }
0x6a: {  	_ =	shalt  }
0x6b: {  	_ =	shalt  }
0x6c: {  	_ =	shalt  }
0x6d: {  	_ =	shalt  }
0x6e: {  	_ =	shalt  }
0x6f: {  	_ =	shalt  }
0x70: {  	_ =	shalt  }
0x71: {  	_ =	shalt  }
0x72: {  	_ =	shalt  }
0x73: {  	_ =	shalt  }
0x74: {  	_ =	shalt  }
0x75: {  	_ =	shalt  }
0x76: {  	_ =	shalt  }
0x77: {  	_ =	shalt  }
0x78: {  	_ =	shalt  }
0x79: {  	_ =	shalt  }
0x7a: {  	_ =	shalt  }
0x7b: {  	_ =	shalt  }
0x7c: {  	_ =	shalt  }
0x7d: {  	_ =	shalt  }
0x7e: {  	_ =	shalt  }
0x7f: {  	_ =	shalt  }
0x80: {  	_ =	shalt  }
0x81: {  	_ =	shalt  }
0x82: {  	_ =	shalt  }
0x83: {  	_ =	shalt  }
0x84: {  	_ =	shalt  }
0x85: {  	_ =	shalt  }
0x86: {  	_ =	shalt  }
0x87: {  	_ =	shalt  }
.Lfunc_end0:
.L_simem_size_0:
called_computation_lowered:
.L_overlay_start_0:
0x88: {  	s2 =	sld [smem:$0x3FD9]  }
0x89: {  	s3 =	sld [smem:$0x3FFE];
	_ =	sdelay $0x1  }
0x8a: {  	s1 =	srdreg.scid  }
0x8b: {  	s0 =	sand.u32 $0x1, s1  }
0x8c: {  	s17 =	sshll.u32 s0, $0xA;
	s2 =	sadd.s32 s3, s2  }
0x8d: {  	s2 =	sadd.s32 s2, s17  }
0x8e: {  	[smem:$0x3FC0] =	sst s2  }
0x8f: {  	_ = 	snop  }
0x90: {  	s2 =	sld [smem:$0x3FD0];
	(tm) =	ssettm $0x1  }
0x91: {  	s18 =	sld [smem:$0x3FFB];
	_ =	sdelay $0x3  }
0x92: {  	_ =	strace s18  }
0x93: {  	s3 =	sld [smem:$0x3FFC];
	_ =	sdelay $0x3  }
0x94: {  	_ =	strace s3  }
0x95: {  	s3 =	sld [smem:$0x3FFD];
	_ =	sdelay $0x3  }
0x96: {  	_ =	strace s3  }
0x97: {  	_ =	strace $0x8FFFFFFF  }
0x98: {  	s19 =	sld [smem:$0x3FDB];
	_ =	sdelay $0x1  }
0x99: {  	s4 =	simm.s32 $_scs_section_size  }
0x9a: {  	s5 =	simm.s32 $_size__tile_overlayer_lowered;
	s6 =	simm.s32 $_tile_overlayer_lowered  }
0x9b: {  	s22 =	simm.s32 $0x1BFF;
	s21 =	sshll.u32 s6, $0x1;
	s3 =	sadd.s32 s4, s19  }
0x9c: {  	s7 =	simm.s32 $0x0;
	s20 =	sshll.u32 s5, $0x1;
	s5 =	sadd.s32 s21, s3  }
0x9d: {  	[timem:s7], [sflag:s22] =	dma.local [hbm:s5], s20  }
0x9e: {  	_ =	swait.ge [sflag:s22], s20  }
0x9f: {  	s4 =	ssub.s32 $0x0, s20;
	[sflag:s22] =	ssyncset.done $0x0  }
0xa0: {  	[sflag:s22] =	ssyncadd.s32 s4;
	_ =	sdelay $0x1  }
0xa1: {  	s23 =	simm.s32 $0x1B8B  }
0xa2: {  	_ =	swait.ge [sflag:s23], $0x1  }
0xa3: {  	[sflag:s23] =	ssyncset.done $0x0  }
0xa4: {  	s25 =	simm.s32 $0x1B8E;
	s24 =	sld [smem:$0x3FFE];
	[sflag:s23] =	ssyncadd.s32 $0xFFFFFFFF  }
0xa5: {  	s26 =	simm.s32 $execute0_lowered;
	[smem:$0x3FD2] =	sst s25  }
0xa6: {  	s5 =	sshll.u32 s26, $0x1;
	_ =	strace $0x80000046;
	[dreg:$0x1] =	wrdreg $0xFFFFFFFF  }
0xa7: {  	s28 =	simm.s32 $_size_execute0_lowered;
	s3 =	sadd.s32 s3, s5;
	[dreg:$0x0] =	wrdreg $0x0  }
0xa8: {  	s5 =	sshll.u32 s28, $0x1;
	[dreg:$0x2] =	wrdreg s3  }
0xa9: {  	[dreg:$0x3] =	wrdreg s5  }
0xaa: {  	[dreg:$0x4] =	wrdreg $0xC0  }
0xab: {  	_ =	task [dreg:s7], $0x5FFFF  }
0xac: {  	[dreg:$0x1] =	wrdreg $0xFFFFFFFF  }
0xad: {  	[dreg:$0x0] =	wrdreg $0x60  }
0xae: {  	[dreg:$0x2] =	wrdreg s24  }
0xaf: {  	[dreg:$0x3] =	wrdreg s2  }
0xb0: {  	[dreg:$0x4] =	wrdreg $0x28800  }
0xb1: {  	[dreg:$0x5] =	wrdreg $0x9  }
0xb2: {  	_ =	task.clear_ibuf [dreg:s7], $0x6FFFF;
	_ =	strace $0x90000046  }
0xb3: {  	s29 =	simm.s32 $0x9;
	_ =	strace $0x80000048  }
0xb4: {  	_ =	swait.ge [sflag:s29], $0x1  }
0xb5: {  	[sflag:s29] =	ssyncadd.s32 $0xFFFFFFFF  }
0xb6: {  	_ =	strace $0x90000048  }
0xb7: {  	_ =	sfence  }
0xb8: {  	s30 =	sld [smem:$0x0];
	_ =	sdelay $0x2  }
0xb9: {  	s31 =	sshll.u32 s1, $0xD;
	s1 =	sshrl.u32 s1, $0x2  }
0xba: {  	s3 =	sand.u32 $0x4000, s31;
	s1 =	sadd.s32 s1, s30  }
0xbb: {  	s0 =	sor.u32 s3, s0;
	s1 =	sshll.u32 s1, $0x11  }
0xbc: {  	s0 =	sor.u32 s1, s0  }
0xbd: {  	s0 =	sadd.s32 $0x8F2B, s0  }
0xbe: {  	[sflag:s0] =	ssyncadd.remote.s32 $0x1  }
0xbf: {  	_ =	sfence.sel $0xFFFF  }
0xc0: {  	[dreg:$0x0] =	wrdreg $0xFFFFFFFF;
	(pc) =	sbr.abs _section_cstart, $3  }
0xc1: {  	[dreg:$0x1] =	wrdreg $0xFFFFFFFF  }
0xc2: {  	_ =	task.clear_ibuf [dreg:s7], $0x2FFFF;
	_ =	strace $0x9FFFFFFF  }
0xc3: {  	(tm) =	ssettm $0x7FFFFFFF  }
tec
execute0_lowered:
.L_overlay_start_1:
0x0: {  	(tag) =	ssettag $0x1  }
0x1: {  	s4 =	rddreg [dreg:$0x0]  }
0x2: {  	s6 =	rddreg [dreg:$0x1]  }
0x3: {  	s1 =	rddreg [dreg:$0x2];
	s2 =	srdreg.scid  }
0x4: {  	s0 =	rddreg [dreg:$0x3];
	s3 =	simm.s32 $0x0;
	s7 =	sand.u32 $0x1, s2  }
0x5: {  	s14 =	simm.s32 $0x10;
	s2 =	stileid.u32;
	s5 =	smul.u32 $0x5000, s7  }
0x6: {  	s15 =	simm.s32 $0x0;
	[smem:$0x7FF] =	sst s3;
	s8 =	smul.u32 $0x280, s2  }
0x7: {  	_ =	strace $0x80000047;
	s9 =	ssub.s32 $0x2, s7;
	s31 =	smul.u32 $0x500, s2  }
0x8: {  	s30 =	sshll.u32 s2, $0x6;
	s7 =	sshll.u32 s7, $0x4;
	s13 =	smul.u32 $0xA0, s2  }
0x9: {  	s11 =	sshrl.u32 s9, $0x1;
	s12 =	sadd.s32 s6, s7;
	s10 =	sadd.s32 s5, s4  }
0xa: {  	s29 =	sshrl.u32 s8, $0x3;
	s9 =	ssub.s32 s9, s11;
	s8 =	sadd.s32 s8, s1  }
0xb: {  	s5 =	sor.u32 $0x1C01, s30;
	s11 =	simm.s32 $0x2800;
	s12 =	sadd.s32 s13, s12  }
0xc: {  	s13 =	simm.s32 $0x20;
	s4 =	sadd.s32 s29, s4;
	s10 =	sadd.s32 $0xC200, s10  }
0xd: {  	s6 =	smax.u32 s9, $0x1;
	s7 =	sshrl.u32 s8, $0x3;
	s8 =	simm.s32 $0x1  }
0xe: {  	v0 =	vimm.f32 $1.000000000e+00;
	s4 =	sadd.s32 $0x16200, s4;
	s9 =	sadd.s32 s31, s10;
	s10 =	simm.s32 $0x80  }
.LBB2_1:
0xf: {  	[spmem:s7], [sflag:s5] =	dma.local [hbm:s4], $0x50  }
0x10: {  	_ =	swait.ge [sflag:s8], $0x50  }
0x11: {  	[sflag:s8] =	ssyncset.done $0x0  }
0x12: {  	[sflag:s8] =	ssyncadd.s32 $0xFFFFFFB0  }
0x13: {  	[tilespmem:s3], [sflag:$0x1] =	stream.linear.gather [hbm4b:s9+s3], $0x2800, $0x38;
	[tilespmem:$0x2B00] =	vst v63  }
0x14: {  	_ =	swait.ge [sflag:s8], $0x2800  }
0x15: {  	[sflag:s8] =	ssyncset.done $0x0  }
0x16: {  	[sflag:s8] =	ssyncadd.s32 $0xFFFFD800  }
0x17: {  	[tilespmem:$0x2800] =	vst v0  }
0x18: {  	[tilespmem:$0x2810] =	vst v0  }
0x19: {  	[tilespmem:$0x2820] =	vst v0  }
0x1a: {  	[tilespmem:$0x2830] =	vst v0  }
0x1b: {  	[tilespmem:$0x2840] =	vst v0  }
0x1c: {  	[tilespmem:$0x2850] =	vst v0  }
0x1d: {  	[tilespmem:$0x2860] =	vst v0  }
0x1e: {  	[tilespmem:$0x2870] =	vst v0  }
0x1f: {  	s16 =	simm.s32 $0x0;
	[bflag:$0x0] =	sbarrier.arrive $0xFFFF  }
0x20: {  	[spmem:s1] =	stream.indirect.scatter.add.f32 [tilespmem:s11], [sflag:$0x1], $0x1, s16, s10, $0xb8;
	[tilespmem:$0x2B00] =	vst v63  }
0x21: {  	_ =	swait.ge [sflag:s8], $0x80  }
0x22: {  	s16 =	simm.s32 $0x200;
	[sflag:s8] =	ssyncset.done $0x0  }
.LBB2_2:
0x23: {  	s17 =	sshra.s32 s16, $0x2;
	[sflag:s8] =	ssyncadd.s32 $0xFFFFFF80;
	p0 =	sne.s32 s16, $0x9E00  }
0x24: {  	[spmem:s1] =	stream.indirect.scatter.add.f32 [tilespmem:s11], [sflag:$0x1], $0x1, s17, s10, $0xb8;
	[tilespmem:$0x2B00] =	vst v63  }
.Ltmp0:
0x25: {  	_ = 	snop;
	(pc) =	sbr.rel @p0 .LBB2_2-.Ltmp0, $4  }
0x26: {  	_ = 	snop  }
0x27: {  	s16 =	sadd.s32 $0x200, s16  }
0x28: {  	_ =	swait.ge [sflag:s8], $0x80  }
0x29: {  	[sflag:s8] =	ssyncset.done $0x0  }
0x2a: {  	s15 =	sadd.s32 $0x1, s15  }
0x2b: {  	[sflag:s8] =	ssyncadd.s32 $0xFFFFFF80;
	p0 =	sne.s32 s15, s6  }
.Ltmp1:
0x2c: {  	[bflag:$0x0] =	sbarrier.arrive $0xFFFF;
	(pc) =	sbr.rel @p0 .LBB2_1-.Ltmp1, $4  }
0x2d: {  	[hbm:s12@s13], [sflag:s5] =	dma.strided [spmem:s7@s14], $0x50, s8, $0x10   }
0x2e: {  	_ =	swait.ge [sflag:s8], $0x50  }
0x2f: {  	[sflag:s8] =	ssyncset.done $0x0  }
0x30: {  	[sflag:s8] =	ssyncadd.s32 $0xFFFFFFB0  }
0x31: {  	_ =	sfence.sel $0x180000  }
0x32: {  	[bflag:$0x0] =	sbarrier.arrive $0xFFFF  }
0x33: {  	p0 =	sne.s32 s2, $0x0;
	_ =	strace $0x90000047  }
0x34: {  	s0 =	sadd.s32 @!p0 $0x100000, s0;
	[bflag:$0x2] =	sbarrier.arrive $0xFFFF  }
0x35: {  	[sflag:s0] =	ssyncadd.tile.s32 @!p0 $0x1;
	_ =	shalt  }
.Lfunc_end2:
_tile_overlayer_lowered:
.L_overlay_start_2:
0x36: {  	(tag) =	ssettag $0x2  }
0x37: {  	s0 =	rddreg [dreg:$0x0];
	s2 =	stileid.u32  }
0x38: {  	s1 =	rddreg [dreg:$0x1];
	p0 =	sne.s32 s2, $0x0  }
0x39: {  	s3 =	rddreg [dreg:$0x2];
	[bflag:$0x3] =	sbarrier.arrive $0xFFFF;
	s2 =	simm.s32 @!p0 $0x1C01  }
0x3a: {  	[timem:s3], [sflag:s2] =	dma.local @!p0 [hbm:s0], s1  }
0x3b: {  	s0 =	simm.s32 @!p0 $0x1  }
0x3c: {  	_ =	swait.ge @!p0 [sflag:s0], s1  }
0x3d: {  	s1 =	ssub.s32 @!p0 $0x0, s1;
	[sflag:s0] =	ssyncset.done @!p0 $0x0  }
0x3e: {  	[sflag:s0] =	ssyncadd.s32 @!p0 s1  }
0x3f: {  	[bflag:$0x3] =	sbarrier.arrive $0xFFFF  }
0x40: {  	_ =	shalt  }

</sc_bundles>
